<compile_context>
chip_gen: v7x
topology: tpu7x:2x2x1
jax: 0.10.2.dev20260603
libtpu: 0.0.44.dev20260713+nightly
codegen_flags: <defaults>
</compile_context>

<pallas_src>
import functools

import jax
import jax.numpy as jnp
from jax import lax
from jax.experimental import pallas as pl
from jax.experimental.pallas import tpu as pltpu
from jax.experimental.pallas import tpu_sc as plsc

D_MODEL = 768
D_FF = 2048
E = 8
T = 2048
LANES = 128
BM = 256
NB = T // BM
NT = NB + E - 1
CH = 128


def _routing_body(x_ref, wp_ref, bp_ref, dest_ref, pmax_ref, cnt_ref, sum_ref,
                  p16_ref):
    x = x_ref[...]
    logits = jnp.dot(x, wp_ref[...], preferred_element_type=jnp.float32)
    logits = logits + bp_ref[...]
    mx = jnp.max(logits, axis=1, keepdims=True)
    el = jnp.exp(logits - mx)
    s = jnp.sum(el, axis=1, keepdims=True)
    p = el / s
    pmx = jnp.max(p, axis=1, keepdims=True)
    pmax_ref[...] = pmx
    p16_ref[...] = jnp.broadcast_to(pmx, (T, 128))
    lane = lax.broadcasted_iota(jnp.int32, (T, LANES), 1)
    routes = jnp.min(jnp.where(logits == mx, lane, LANES), axis=1, keepdims=True)
    onehot = (lane == routes).astype(jnp.float32)
    sum_ref[...] = jnp.sum(p, axis=0, keepdims=True)

    r = lax.broadcasted_iota(jnp.int32, (CH, CH), 0)
    c = lax.broadcasted_iota(jnp.int32, (CH, CH), 1)
    lt = (r >= c).astype(jnp.float32)
    carry = jnp.zeros((1, LANES), jnp.float32)
    rank_parts = []
    lane_c = lax.broadcasted_iota(jnp.int32, (CH, LANES), 1)
    for k in range(T // CH):
        chunk = lax.slice(onehot, (k * CH, 0), ((k + 1) * CH, LANES))
        cs = jnp.dot(lt, chunk, preferred_element_type=jnp.float32) + carry
        routes_k = lax.slice(routes, (k * CH, 0), ((k + 1) * CH, 1))
        rank_parts.append(jnp.sum(jnp.where(lane_c == routes_k, cs, 0.0),
                                  axis=1, keepdims=True))
        carry = carry + jnp.sum(chunk, axis=0, keepdims=True)
    rank = jnp.concatenate(rank_parts, axis=0)
    counts = carry
    cnt_ref[...] = counts.astype(jnp.int32)
    rr = lax.broadcasted_iota(jnp.int32, (LANES, LANES), 0)
    cc = lax.broadcasted_iota(jnp.int32, (LANES, LANES), 1)
    upper = (rr < cc).astype(jnp.float32)
    offs = jnp.dot(counts, upper, preferred_element_type=jnp.float32,
                   precision=lax.Precision.HIGHEST)
    offs_tok = jnp.sum(jnp.where(lane == routes, offs, 0.0), axis=1, keepdims=True)
    dest_ref[...] = (rank - 1.0 + offs_tok).astype(jnp.int32)


def _run_routing(x2d, wp, bp):
    return pl.pallas_call(
        _routing_body,
        out_shape=[
            jax.ShapeDtypeStruct((T, 1), jnp.int32),
            jax.ShapeDtypeStruct((T, 1), jnp.float32),
            jax.ShapeDtypeStruct((1, LANES), jnp.int32),
            jax.ShapeDtypeStruct((1, LANES), jnp.float32),
            jax.ShapeDtypeStruct((T, 128), jnp.float32),
        ],
    )(x2d, wp, bp)


def _make_sc_dispatch():
    info = plsc.get_sparse_core_info()
    nw = info.num_cores * info.num_subcores
    tpw = T // nw
    mesh = plsc.VectorSubcoreMesh(core_axis_name="c", subcore_axis_name="s")

    @functools.partial(
        pl.kernel,
        out_type=[
            jax.ShapeDtypeStruct((T, D_MODEL), jnp.float32),
            jax.ShapeDtypeStruct((T, 128), jnp.float32),
        ],
        mesh=mesh,
        scratch_types=[
            pltpu.VMEM((tpw,), jnp.int32),
            pltpu.VMEM((tpw, D_MODEL), jnp.float32),
            pltpu.VMEM((tpw, 128), jnp.float32),
            pltpu.SemaphoreType.DMA,
            pltpu.SemaphoreType.DMA,
        ],
    )
    def body(x_hbm, p_hbm, idx_hbm, xs_hbm, ps_hbm,
             idx_v, rows_v, prow_v, sem1, sem2):
        wid = lax.axis_index("s") * info.num_cores + lax.axis_index("c")
        base = wid * tpw
        pltpu.sync_copy(idx_hbm.at[pl.ds(base, tpw)], idx_v)
        pltpu.sync_copy(x_hbm.at[pl.ds(base, tpw)], rows_v)
        pltpu.sync_copy(p_hbm.at[pl.ds(base, tpw)], prow_v)
        c1 = pltpu.async_copy(rows_v, xs_hbm.at[idx_v], sem1)
        c2 = pltpu.async_copy(prow_v, ps_hbm.at[idx_v], sem2)
        c1.wait()
        c2.wait()

    return body


def _make_sc_gather():
    info = plsc.get_sparse_core_info()
    nw = info.num_cores * info.num_subcores
    tpw = T // nw
    mesh = plsc.VectorSubcoreMesh(core_axis_name="c", subcore_axis_name="s")

    @functools.partial(
        pl.kernel,
        out_type=jax.ShapeDtypeStruct((T, 1, D_MODEL), jnp.float32),
        mesh=mesh,
        scratch_types=[
            pltpu.VMEM((tpw, 1, D_MODEL), jnp.float32),
            pltpu.VMEM((tpw,), jnp.int32),
            pltpu.SemaphoreType.DMA,
        ],
    )
    def body(src_hbm, idx_hbm, out_hbm, rows_v, idx_v, sem):
        wid = lax.axis_index("s") * info.num_cores + lax.axis_index("c")
        base = wid * tpw
        pltpu.sync_copy(idx_hbm.at[pl.ds(base, tpw)], idx_v)
        pltpu.async_copy(src_hbm.at[idx_v], rows_v, sem).wait()
        pltpu.sync_copy(rows_v, out_hbm.at[pl.ds(base, tpw)])

    return body


def _ffn_body(bid_ref, eid_ref, ts_ref, te_ref,
              x_ref, w1_ref, b1_ref, w2_ref, b2_ref, ps_ref, o_ref):
    i = pl.program_id(0)
    b = bid_ref[i]
    h = jnp.dot(x_ref[...], w1_ref[0], preferred_element_type=jnp.float32)
    h = jnp.maximum(h + b1_ref[0], 0.0)
    o = jnp.dot(h, w2_ref[0], preferred_element_type=jnp.float32) + b2_ref[0]
    o = o * ps_ref[...][:, 0:1]
    rows = b * BM + lax.broadcasted_iota(jnp.int32, (BM, 1), 0)
    mask = (rows >= ts_ref[i]) & (rows < te_ref[i])
    o = jnp.where(mask, o, 0.0)

    @pl.when(i == 0)
    def _():
        o_ref[...] = jnp.zeros_like(o_ref)

    o_ref[pl.ds(b * BM, BM), 0, :] += o


def _run_ffn(bid, eid, ts, te, xs, w1, b1, w2, b2, ps16):
    grid_spec = pltpu.PrefetchScalarGridSpec(
        num_scalar_prefetch=4,
        grid=(NT,),
        in_specs=[
            pl.BlockSpec((BM, D_MODEL), lambda i, bid, eid, ts, te: (bid[i], 0)),
            pl.BlockSpec((1, D_MODEL, D_FF),
                         lambda i, bid, eid, ts, te: (eid[i], 0, 0)),
            pl.BlockSpec((1, 1, D_FF),
                         lambda i, bid, eid, ts, te: (eid[i], 0, 0)),
            pl.BlockSpec((1, D_FF, D_MODEL),
                         lambda i, bid, eid, ts, te: (eid[i], 0, 0)),
            pl.BlockSpec((1, 1, D_MODEL),
                         lambda i, bid, eid, ts, te: (eid[i], 0, 0)),
            pl.BlockSpec((BM, 128), lambda i, bid, eid, ts, te: (bid[i], 0)),
        ],
        out_specs=pl.BlockSpec((T, 1, D_MODEL),
                               lambda i, bid, eid, ts, te: (0, 0, 0)),
    )
    return pl.pallas_call(
        _ffn_body,
        grid_spec=grid_spec,
        out_shape=jax.ShapeDtypeStruct((T, 1, D_MODEL), jnp.float32),
        compiler_params=pltpu.CompilerParams(
            dimension_semantics=("arbitrary",)),
    )(bid, eid, ts, te, xs, w1,
      b1.reshape(E, 1, D_FF), w2, b2.reshape(E, 1, D_MODEL), ps16)


def _tile_metadata(counts):
    ends = jnp.cumsum(counts)
    offs = ends - counts
    lo = jnp.arange(NB, dtype=jnp.int32) * BM
    ov = (offs[None, :] < (lo + BM)[:, None]) & (ends[None, :] > lo[:, None])
    flat = ov.reshape(-1)
    fi = jnp.arange(NB * E, dtype=jnp.int32)
    key = (fi % E) * NB + fi // E
    order = jnp.argsort(jnp.where(flat, key, NB * E + key))
    num_real = jnp.sum(flat.astype(jnp.int32))
    sel = order[jnp.minimum(jnp.arange(NT, dtype=jnp.int32), num_real - 1)]
    bid = (sel // E).astype(jnp.int32)
    eid = (sel % E).astype(jnp.int32)
    blo = bid * BM
    ts = jnp.maximum(offs[eid], blo).astype(jnp.int32)
    te = jnp.minimum(ends[eid], blo + BM).astype(jnp.int32)
    te = jnp.where(jnp.arange(NT, dtype=jnp.int32) >= num_real, ts, te)
    return bid, eid, ts, te


def kernel(x, switch_W, switch_b, W1, b1, W2, b2):
    seq_len, batch_size, d_model = x.shape
    x2d = x.reshape(T, D_MODEL)
    wp = jnp.zeros((D_MODEL, LANES), jnp.float32).at[:, :E].set(switch_W)
    bp = jnp.full((1, LANES), -1e30, jnp.float32).at[0, :E].set(switch_b)

    dest2d, pmax2d, cnt_pad, sum_pad, p16 = _run_routing(x2d, wp, bp)
    dest = dest2d.reshape(T)
    counts = cnt_pad[0, :E]

    xs, ps16 = _make_sc_dispatch()(x2d, p16, dest)
    bid, eid, ts, te = _tile_metadata(counts)
    ys = _run_ffn(bid, eid, ts, te, xs, W1, b1, W2, b2, ps16)
    final = _make_sc_gather()(ys, dest)

    route_prob_sums = sum_pad[0, :E]
    n_dropped = jnp.zeros((), jnp.int32)
    route_prob_max = pmax2d.reshape(T)
    return final, counts, route_prob_sums, n_dropped, route_prob_max

# --- scband reference (transcript-rebuilt; emitter-appended) ---
"""Pipeline reference for scband-switch-feed-forward-79611513798726 (READ-ONLY COPY).

The authoritative reference and input builder live on the scoring server;
editing this copy changes nothing except your own understanding.
"""

import jax, jax.numpy as jnp
import numpy as np

D_MODEL = 768
D_FF = 2048
E = 8
SEQ = 2048
BATCH = 1


def setup_inputs(seed: int = 0) -> dict:
    key = jax.random.key(seed)
    ks = jax.random.split(key, 8)
    x = jax.random.normal(ks[0], (SEQ, BATCH, D_MODEL), dtype=jnp.float32)
    switch_W = jax.random.normal(ks[1], (D_MODEL, E), dtype=jnp.float32) * 0.02
    switch_b = jnp.zeros((E,), dtype=jnp.float32)
    W1 = jax.random.normal(ks[2], (E, D_MODEL, D_FF), dtype=jnp.float32) * 0.02
    b1 = jnp.zeros((E, D_FF), dtype=jnp.float32)
    W2 = jax.random.normal(ks[3], (E, D_FF, D_MODEL), dtype=jnp.float32) * 0.02
    b2 = jnp.zeros((E, D_MODEL), dtype=jnp.float32)
    return {"x": x, "switch_W": switch_W, "switch_b": switch_b,
            "W1": W1, "b1": b1, "W2": W2, "b2": b2}


def reference(x, switch_W, switch_b, W1, b1, W2, b2):
    # Switch-style top-1 MoE FFN (drop_tokens=False, is_scale_prob=True, dropout=0 eval)
    seq_len, batch_size, d_model = x.shape
    tokens = x.reshape(-1, d_model)                      # [T, d]
    logits = tokens @ switch_W + switch_b                # [T, E]
    route_prob = jax.nn.softmax(logits, axis=-1)
    route_prob_max = jnp.max(route_prob, axis=-1)        # [T]
    routes = jnp.argmax(route_prob, axis=-1)             # [T] int
    # expert FFN applied densely, then one-hot dispatch select (math identical to
    # gather/scatter dispatch in the torch module since drop_tokens=False)
    h = jnp.einsum('td,edf->etf', tokens, W1) + b1[:, None, :]   # [E, T, d_ff]
    h = jax.nn.relu(h)
    o = jnp.einsum('etf,efd->etd', h, W2) + b2[:, None, :]       # [E, T, d]
    mask = jax.nn.one_hot(routes, E, dtype=tokens.dtype).T       # [E, T]
    final = jnp.sum(o * mask[:, :, None], axis=0)                # [T, d]
    final = final * route_prob_max[:, None]
    final = final.reshape(seq_len, batch_size, d_model)
    counts = jnp.bincount(routes, length=E)
    route_prob_sums = jnp.sum(route_prob, axis=0)
    n_dropped = jnp.array(0, dtype=jnp.int32)
    return (final, counts, route_prob_sums, n_dropped,
            jax.lax.stop_gradient(route_prob_max))

if __name__ == "__main__":
    import jax
    _d = setup_inputs()
    print(jax.jit(kernel)(*tuple(_d.values())))

</pallas_src>

<mosaic_0001>
#map = affine_map<(d0, d1) -> (0, 0, 0)>
#map1 = affine_map<(d0, d1) -> (0)>
module attributes {stable_mosaic.version = 14 : i64} {
  func.func @body(%arg0: i32, %arg1: i32, %arg2: memref<2048x1x768xf32, #tpu.memory_space<hbm>>, %arg3: memref<2048xi32, #tpu.memory_space<hbm>>, %arg4: memref<2048x1x768xf32, #tpu.memory_space<hbm>>, %arg5: memref<64x1x768xf32, #tpu.memory_space<vmem>>, %arg6: memref<64xi32, #tpu.memory_space<vmem>>, %arg7: memref<!tpu.dma_semaphore, #tpu.memory_space<semaphore_mem>>) attributes {dimension_semantics = [#tpu.dimension_semantics<core_parallel>, #tpu.dimension_semantics<subcore_parallel>], iteration_bounds = array<i64: 2, 16>, scalar_prefetch = 0 : i64, scratch_operands = 3 : i64, tpu.core_type = #tpu.core_type<sc_vector_subcore>, window_params = [{transform_indices = #map}, {transform_indices = #map1}, {transform_indices = #map}]} {
    %mul3A = arith.constant 2 : i32
    %mul3A_0 = arith.muli %arg1, %mul3A : i32
    %add3A = arith.addi %mul3A_0, %arg0 : i32
    %mul3A_1 = arith.constant 64 : i32
    %mul3A_2 = arith.muli %add3A, %mul3A_1 : i32
    "tpu.region"() ({
      %run_scoped3A = tpu.sem_alloc : memref<!tpu.dma_semaphore, #tpu.memory_space<semaphore_mem>>
      %dma_start3A_9 = tpu.memref_slice %arg3[%mul3A_2] : memref<2048xi32, #tpu.memory_space<hbm>> -> memref<64xi32, #tpu.memory_space<hbm>>
      %dma_start3A_10 = tpu.memref_slice %arg3[%mul3A_2] : memref<2048xi32, #tpu.memory_space<hbm>> -> memref<64xi32, #tpu.memory_space<hbm>>
      tpu.enqueue_dma source(%dma_start3A_10 : memref<64xi32, #tpu.memory_space<hbm>>) target(%arg6 : memref<64xi32, #tpu.memory_space<vmem>>) target_semaphore(%run_scoped3A : memref<!tpu.dma_semaphore, #tpu.memory_space<semaphore_mem>>)
      %dma_wait3A_11 = tpu.memref_slice %arg3[%mul3A_2] : memref<2048xi32, #tpu.memory_space<hbm>> -> memref<64xi32, #tpu.memory_space<hbm>>
      %dma_wait3A_12 = tpu.memref_slice %arg3[%mul3A_2] : memref<2048xi32, #tpu.memory_space<hbm>> -> memref<64xi32, #tpu.memory_space<hbm>>
      tpu.wait_dma2 semaphore(%run_scoped3A : memref<!tpu.dma_semaphore, #tpu.memory_space<semaphore_mem>>) src(%dma_wait3A_12 : memref<64xi32, #tpu.memory_space<hbm>>) dst(%arg6 : memref<64xi32, #tpu.memory_space<vmem>>)
      tpu.yield
    }) : () -> ()
    %dma_start3A = arith.constant 0 : i32
    %dma_start3A_3 = arith.constant 0 : i32
    %dma_start3A_4 = arith.constant 0 : i32
    %dma_start3A_5 = tpu.memref_slice %arg2[%dma_start3A, %dma_start3A_3, %dma_start3A_4] : memref<2048x1x768xf32, #tpu.memory_space<hbm>> -> memref<2048x1x768xf32, #tpu.memory_space<hbm>>
    tpu.enqueue_indirect_dma source(%dma_start3A_5 : memref<2048x1x768xf32, #tpu.memory_space<hbm>>) target(%arg5 : memref<64x1x768xf32, #tpu.memory_space<vmem>>) offsets(%arg6 : memref<64xi32, #tpu.memory_space<vmem>>) semaphore(%arg7 : memref<!tpu.dma_semaphore, #tpu.memory_space<semaphore_mem>>)
    %dma_wait3A = arith.constant 0 : i32
    %dma_wait3A_6 = arith.constant 0 : i32
    %dma_wait3A_7 = arith.constant 0 : i32
    %dma_wait3A_8 = tpu.memref_slice %arg2[%dma_wait3A, %dma_wait3A_6, %dma_wait3A_7] : memref<2048x1x768xf32, #tpu.memory_space<hbm>> -> memref<2048x1x768xf32, #tpu.memory_space<hbm>>
    tpu.wait_indirect_dma semaphore(%arg7 : memref<!tpu.dma_semaphore, #tpu.memory_space<semaphore_mem>>) src(%dma_wait3A_8 : memref<2048x1x768xf32, #tpu.memory_space<hbm>>) dst(%arg5 : memref<64x1x768xf32, #tpu.memory_space<vmem>>)
    "tpu.region"() ({
      %run_scoped3A = tpu.sem_alloc : memref<!tpu.dma_semaphore, #tpu.memory_space<semaphore_mem>>
      %dma_start3A_9 = arith.constant 0 : i32
      %dma_start3A_10 = arith.constant 0 : i32
      %dma_start3A_11 = tpu.memref_slice %arg4[%mul3A_2, %dma_start3A_9, %dma_start3A_10] : memref<2048x1x768xf32, #tpu.memory_space<hbm>> -> memref<64x1x768xf32, #tpu.memory_space<hbm>>
      %dma_start3A_12 = arith.constant 0 : i32
      %dma_start3A_13 = arith.constant 0 : i32
      %dma_start3A_14 = tpu.memref_slice %arg4[%mul3A_2, %dma_start3A_12, %dma_start3A_13] : memref<2048x1x768xf32, #tpu.memory_space<hbm>> -> memref<64x1x768xf32, #tpu.memory_space<hbm>>
      tpu.enqueue_dma source(%arg5 : memref<64x1x768xf32, #tpu.memory_space<vmem>>) target(%dma_start3A_14 : memref<64x1x768xf32, #tpu.memory_space<hbm>>) target_semaphore(%run_scoped3A : memref<!tpu.dma_semaphore, #tpu.memory_space<semaphore_mem>>)
      %dma_wait3A_15 = arith.constant 0 : i32
      %dma_wait3A_16 = arith.constant 0 : i32
      %dma_wait3A_17 = tpu.memref_slice %arg4[%mul3A_2, %dma_wait3A_15, %dma_wait3A_16] : memref<2048x1x768xf32, #tpu.memory_space<hbm>> -> memref<64x1x768xf32, #tpu.memory_space<hbm>>
      %dma_wait3A_18 = arith.constant 0 : i32
      %dma_wait3A_19 = arith.constant 0 : i32
      %dma_wait3A_20 = tpu.memref_slice %arg4[%mul3A_2, %dma_wait3A_18, %dma_wait3A_19] : memref<2048x1x768xf32, #tpu.memory_space<hbm>> -> memref<64x1x768xf32, #tpu.memory_space<hbm>>
      tpu.wait_dma2 semaphore(%run_scoped3A : memref<!tpu.dma_semaphore, #tpu.memory_space<semaphore_mem>>) src(%arg5 : memref<64x1x768xf32, #tpu.memory_space<vmem>>) dst(%dma_wait3A_20 : memref<64x1x768xf32, #tpu.memory_space<hbm>>)
      tpu.yield
    }) : () -> ()
    return
  }
}

#map = affine_map<(d0, d1) -> (0, 0)>
#map1 = affine_map<(d0, d1) -> (0)>
module attributes {stable_mosaic.version = 14 : i64} {
  func.func @body(%arg0: i32, %arg1: i32, %arg2: memref<2048x768xf32, #tpu.memory_space<hbm>>, %arg3: memref<2048x128xf32, #tpu.memory_space<hbm>>, %arg4: memref<2048xi32, #tpu.memory_space<hbm>>, %arg5: memref<2048x768xf32, #tpu.memory_space<hbm>>, %arg6: memref<2048x128xf32, #tpu.memory_space<hbm>>, %arg7: memref<64xi32, #tpu.memory_space<vmem>>, %arg8: memref<64x768xf32, #tpu.memory_space<vmem>>, %arg9: memref<64x128xf32, #tpu.memory_space<vmem>>, %arg10: memref<!tpu.dma_semaphore, #tpu.memory_space<semaphore_mem>>, %arg11: memref<!tpu.dma_semaphore, #tpu.memory_space<semaphore_mem>>) attributes {dimension_semantics = [#tpu.dimension_semantics<core_parallel>, #tpu.dimension_semantics<subcore_parallel>], iteration_bounds = array<i64: 2, 16>, scalar_prefetch = 0 : i64, scratch_operands = 5 : i64, tpu.core_type = #tpu.core_type<sc_vector_subcore>, window_params = [{transform_indices = #map}, {transform_indices = #map}, {transform_indices = #map1}, {transform_indices = #map}, {transform_indices = #map}]} {
    %mul3A = arith.constant 2 : i32
    %mul3A_0 = arith.muli %arg1, %mul3A : i32
    %add3A = arith.addi %mul3A_0, %arg0 : i32
    %mul3A_1 = arith.constant 64 : i32
    %mul3A_2 = arith.muli %add3A, %mul3A_1 : i32
    "tpu.region"() ({
      %run_scoped3A = tpu.sem_alloc : memref<!tpu.dma_semaphore, #tpu.memory_space<semaphore_mem>>
      %dma_start3A_13 = tpu.memref_slice %arg4[%mul3A_2] : memref<2048xi32, #tpu.memory_space<hbm>> -> memref<64xi32, #tpu.memory_space<hbm>>
      %dma_start3A_14 = tpu.memref_slice %arg4[%mul3A_2] : memref<2048xi32, #tpu.memory_space<hbm>> -> memref<64xi32, #tpu.memory_space<hbm>>
      tpu.enqueue_dma source(%dma_start3A_14 : memref<64xi32, #tpu.memory_space<hbm>>) target(%arg7 : memref<64xi32, #tpu.memory_space<vmem>>) target_semaphore(%run_scoped3A : memref<!tpu.dma_semaphore, #tpu.memory_space<semaphore_mem>>)
      %dma_wait3A_15 = tpu.memref_slice %arg4[%mul3A_2] : memref<2048xi32, #tpu.memory_space<hbm>> -> memref<64xi32, #tpu.memory_space<hbm>>
      %dma_wait3A_16 = tpu.memref_slice %arg4[%mul3A_2] : memref<2048xi32, #tpu.memory_space<hbm>> -> memref<64xi32, #tpu.memory_space<hbm>>
      tpu.wait_dma2 semaphore(%run_scoped3A : memref<!tpu.dma_semaphore, #tpu.memory_space<semaphore_mem>>) src(%dma_wait3A_16 : memref<64xi32, #tpu.memory_space<hbm>>) dst(%arg7 : memref<64xi32, #tpu.memory_space<vmem>>)
      tpu.yield
    }) : () -> ()
    "tpu.region"() ({
      %run_scoped3A = tpu.sem_alloc : memref<!tpu.dma_semaphore, #tpu.memory_space<semaphore_mem>>
      %dma_start3A_13 = arith.constant 0 : i32
      %dma_start3A_14 = tpu.memref_slice %arg2[%mul3A_2, %dma_start3A_13] : memref<2048x768xf32, #tpu.memory_space<hbm>> -> memref<64x768xf32, #tpu.memory_space<hbm>>
      %dma_start3A_15 = arith.constant 0 : i32
      %dma_start3A_16 = tpu.memref_slice %arg2[%mul3A_2, %dma_start3A_15] : memref<2048x768xf32, #tpu.memory_space<hbm>> -> memref<64x768xf32, #tpu.memory_space<hbm>>
      tpu.enqueue_dma source(%dma_start3A_16 : memref<64x768xf32, #tpu.memory_space<hbm>>) target(%arg8 : memref<64x768xf32, #tpu.memory_space<vmem>>) target_semaphore(%run_scoped3A : memref<!tpu.dma_semaphore, #tpu.memory_space<semaphore_mem>>)
      %dma_wait3A_17 = arith.constant 0 : i32
      %dma_wait3A_18 = tpu.memref_slice %arg2[%mul3A_2, %dma_wait3A_17] : memref<2048x768xf32, #tpu.memory_space<hbm>> -> memref<64x768xf32, #tpu.memory_space<hbm>>
      %dma_wait3A_19 = arith.constant 0 : i32
      %dma_wait3A_20 = tpu.memref_slice %arg2[%mul3A_2, %dma_wait3A_19] : memref<2048x768xf32, #tpu.memory_space<hbm>> -> memref<64x768xf32, #tpu.memory_space<hbm>>
      tpu.wait_dma2 semaphore(%run_scoped3A : memref<!tpu.dma_semaphore, #tpu.memory_space<semaphore_mem>>) src(%dma_wait3A_20 : memref<64x768xf32, #tpu.memory_space<hbm>>) dst(%arg8 : memref<64x768xf32, #tpu.memory_space<vmem>>)
      tpu.yield
    }) : () -> ()
    "tpu.region"() ({
      %run_scoped3A = tpu.sem_alloc : memref<!tpu.dma_semaphore, #tpu.memory_space<semaphore_mem>>
      %dma_start3A_13 = arith.constant 0 : i32
      %dma_start3A_14 = tpu.memref_slice %arg3[%mul3A_2, %dma_start3A_13] : memref<2048x128xf32, #tpu.memory_space<hbm>> -> memref<64x128xf32, #tpu.memory_space<hbm>>
      %dma_start3A_15 = arith.constant 0 : i32
      %dma_start3A_16 = tpu.memref_slice %arg3[%mul3A_2, %dma_start3A_15] : memref<2048x128xf32, #tpu.memory_space<hbm>> -> memref<64x128xf32, #tpu.memory_space<hbm>>
      tpu.enqueue_dma source(%dma_start3A_16 : memref<64x128xf32, #tpu.memory_space<hbm>>) target(%arg9 : memref<64x128xf32, #tpu.memory_space<vmem>>) target_semaphore(%run_scoped3A : memref<!tpu.dma_semaphore, #tpu.memory_space<semaphore_mem>>)
      %dma_wait3A_17 = arith.constant 0 : i32
      %dma_wait3A_18 = tpu.memref_slice %arg3[%mul3A_2, %dma_wait3A_17] : memref<2048x128xf32, #tpu.memory_space<hbm>> -> memref<64x128xf32, #tpu.memory_space<hbm>>
      %dma_wait3A_19 = arith.constant 0 : i32
      %dma_wait3A_20 = tpu.memref_slice %arg3[%mul3A_2, %dma_wait3A_19] : memref<2048x128xf32, #tpu.memory_space<hbm>> -> memref<64x128xf32, #tpu.memory_space<hbm>>
      tpu.wait_dma2 semaphore(%run_scoped3A : memref<!tpu.dma_semaphore, #tpu.memory_space<semaphore_mem>>) src(%dma_wait3A_20 : memref<64x128xf32, #tpu.memory_space<hbm>>) dst(%arg9 : memref<64x128xf32, #tpu.memory_space<vmem>>)
      tpu.yield
    }) : () -> ()
    %dma_start3A = arith.constant 0 : i32
    %dma_start3A_3 = arith.constant 0 : i32
    %dma_start3A_4 = tpu.memref_slice %arg5[%dma_start3A, %dma_start3A_3] : memref<2048x768xf32, #tpu.memory_space<hbm>> -> memref<2048x768xf32, #tpu.memory_space<hbm>>
    tpu.enqueue_indirect_dma source(%arg8 : memref<64x768xf32, #tpu.memory_space<vmem>>) target(%dma_start3A_4 : memref<2048x768xf32, #tpu.memory_space<hbm>>) offsets(%arg7 : memref<64xi32, #tpu.memory_space<vmem>>) semaphore(%arg10 : memref<!tpu.dma_semaphore, #tpu.memory_space<semaphore_mem>>)
    %dma_start3A_5 = arith.constant 0 : i32
    %dma_start3A_6 = arith.constant 0 : i32
    %dma_start3A_7 = tpu.memref_slice %arg6[%dma_start3A_5, %dma_start3A_6] : memref<2048x128xf32, #tpu.memory_space<hbm>> -> memref<2048x128xf32, #tpu.memory_space<hbm>>
    tpu.enqueue_indirect_dma source(%arg9 : memref<64x128xf32, #tpu.memory_space<vmem>>) target(%dma_start3A_7 : memref<2048x128xf32, #tpu.memory_space<hbm>>) offsets(%arg7 : memref<64xi32, #tpu.memory_space<vmem>>) semaphore(%arg11 : memref<!tpu.dma_semaphore, #tpu.memory_space<semaphore_mem>>)
    %dma_wait3A = arith.constant 0 : i32
    %dma_wait3A_8 = arith.constant 0 : i32
    %dma_wait3A_9 = tpu.memref_slice %arg5[%dma_wait3A, %dma_wait3A_8] : memref<2048x768xf32, #tpu.memory_space<hbm>> -> memref<2048x768xf32, #tpu.memory_space<hbm>>
    tpu.wait_indirect_dma semaphore(%arg10 : memref<!tpu.dma_semaphore, #tpu.memory_space<semaphore_mem>>) src(%arg8 : memref<64x768xf32, #tpu.memory_space<vmem>>) dst(%dma_wait3A_9 : memref<2048x768xf32, #tpu.memory_space<hbm>>)
    %dma_wait3A_10 = arith.constant 0 : i32
    %dma_wait3A_11 = arith.constant 0 : i32
    %dma_wait3A_12 = tpu.memref_slice %arg6[%dma_wait3A_10, %dma_wait3A_11] : memref<2048x128xf32, #tpu.memory_space<hbm>> -> memref<2048x128xf32, #tpu.memory_space<hbm>>
    tpu.wait_indirect_dma semaphore(%arg11 : memref<!tpu.dma_semaphore, #tpu.memory_space<semaphore_mem>>) src(%arg9 : memref<64x128xf32, #tpu.memory_space<vmem>>) dst(%dma_wait3A_12 : memref<2048x128xf32, #tpu.memory_space<hbm>>)
    return
  }
}

module attributes {stable_mosaic.version = 14 : i64} {
  func.func @_routing_body(%arg0: memref<2048x768xf32, #tpu.memory_space<vmem>>, %arg1: memref<768x128xf32, #tpu.memory_space<vmem>>, %arg2: memref<1x128xf32, #tpu.memory_space<vmem>>, %arg3: memref<2048x1xi32, #tpu.memory_space<vmem>>, %arg4: memref<2048x1xf32, #tpu.memory_space<vmem>>, %arg5: memref<1x128xi32, #tpu.memory_space<vmem>>, %arg6: memref<1x128xf32, #tpu.memory_space<vmem>>, %arg7: memref<2048x128xf32, #tpu.memory_space<vmem>>) attributes {dimension_semantics = [], scalar_prefetch = 0 : i64, scratch_operands = 0 : i64, tpu.core_type = #tpu.core_type<tc>} {
    %get3A = arith.constant 0 : index
    %get3A_0 = arith.constant 0 : index
    %get3A_1 = vector.load %arg0[%get3A, %get3A_0] : memref<2048x768xf32, #tpu.memory_space<vmem>>, vector<2048x768xf32>
    %get3A_2 = arith.constant 0 : index
    %get3A_3 = arith.constant 0 : index
    %get3A_4 = vector.load %arg1[%get3A_2, %get3A_3] : memref<768x128xf32, #tpu.memory_space<vmem>>, vector<768x128xf32>
    %dot_general3A = arith.constant dense<0.000000e+00> : vector<2048x128xf32>
    %dot_general3A_5 = tpu.matmul %get3A_1, %get3A_4, %dot_general3A {dimension_numbers = #tpu.dot_dimension_numbers<[1], [0], [0], [1], [0, 0, 1, 1], [], []>, transpose_lhs_hint = false} : vector<2048x768xf32>, vector<768x128xf32>, vector<2048x128xf32> -> vector<2048x128xf32>
    %get3A_6 = arith.constant 0 : index
    %get3A_7 = arith.constant 0 : index
    %get3A_8 = vector.load %arg2[%get3A_6, %get3A_7] : memref<1x128xf32, #tpu.memory_space<vmem>>, vector<1x128xf32>
    %add3A = vector.broadcast %get3A_8 : vector<1x128xf32> to vector<2048x128xf32>
    %add3A_9 = arith.addf %dot_general3A_5, %add3A : vector<2048x128xf32>
    %reduce_max3A = arith.constant dense<0xFF800000> : vector<2048xf32>
    %reduce_max3A_10 = vector.multi_reduction <maximumf>, %add3A_9, %reduce_max3A [1] : vector<2048x128xf32> to vector<2048xf32>
    %broadcast_in_dim3A = vector.shape_cast %reduce_max3A_10 : vector<2048xf32> to vector<2048x1xf32>
    %sub3A = vector.broadcast %broadcast_in_dim3A : vector<2048x1xf32> to vector<2048x128xf32>
    %sub3A_11 = arith.subf %add3A_9, %sub3A : vector<2048x128xf32>
    %exp3A = math.exp %sub3A_11 : vector<2048x128xf32>
    %reduce_sum3A = arith.constant dense<0.000000e+00> : vector<2048xf32>
    %reduce_sum3A_12 = vector.multi_reduction <add>, %exp3A, %reduce_sum3A [1] : vector<2048x128xf32> to vector<2048xf32>
    %broadcast_in_dim3A_13 = vector.shape_cast %reduce_sum3A_12 : vector<2048xf32> to vector<2048x1xf32>
    %div3A = vector.broadcast %broadcast_in_dim3A_13 : vector<2048x1xf32> to vector<2048x128xf32>
    %div3A_14 = arith.divf %exp3A, %div3A : vector<2048x128xf32>
    %reduce_max3A_15 = arith.constant dense<0xFF800000> : vector<2048xf32>
    %reduce_max3A_16 = vector.multi_reduction <maximumf>, %div3A_14, %reduce_max3A_15 [1] : vector<2048x128xf32> to vector<2048xf32>
    %broadcast_in_dim3A_17 = vector.shape_cast %reduce_max3A_16 : vector<2048xf32> to vector<2048x1xf32>
    %swap3A = arith.constant 0 : index
    %swap3A_18 = arith.constant 0 : index
    %swap3A_19 = vector.load %arg4[%swap3A, %swap3A_18] : memref<2048x1xf32, #tpu.memory_space<vmem>>, vector<2048x1xf32>
    tpu.vector_store %arg4[%swap3A, %swap3A_18], %broadcast_in_dim3A_17 {strides = array<i32>} : memref<2048x1xf32, #tpu.memory_space<vmem>>, vector<2048x1xf32>,
    %broadcast_in_dim3A_20 = vector.shape_cast %broadcast_in_dim3A_17 : vector<2048x1xf32> to vector<2048x1xf32>
    %broadcast_in_dim3A_21 = vector.broadcast %broadcast_in_dim3A_20 : vector<2048x1xf32> to vector<2048x128xf32>
    %swap3A_22 = arith.constant 0 : index
    %swap3A_23 = arith.constant 0 : index
    %swap3A_24 = vector.load %arg7[%swap3A_22, %swap3A_23] : memref<2048x128xf32, #tpu.memory_space<vmem>>, vector<2048x128xf32>
    tpu.vector_store %arg7[%swap3A_22, %swap3A_23], %broadcast_in_dim3A_21 {strides = array<i32>} : memref<2048x128xf32, #tpu.memory_space<vmem>>, vector<2048x128xf32>,
    %iota3A = tpu.iota {dimensions = array<i32: 1>} : vector<2048x128xi32>
    %eq3A = vector.broadcast %broadcast_in_dim3A : vector<2048x1xf32> to vector<2048x128xf32>
    %eq3A_25 = arith.cmpf oeq, %add3A_9, %eq3A : vector<2048x128xf32>
    %jit3A = arith.constant 128 : i32
    %broadcast_in_dim3A_26 = vector.broadcast %jit3A : i32 to vector<2048x128xi32>
    %select_n3A = arith.select %eq3A_25, %iota3A, %broadcast_in_dim3A_26 : vector<2048x128xi1>, vector<2048x128xi32>
    %reduce_min3A = arith.constant dense<2147483647> : vector<2048xi32>
    %reduce_min3A_27 = vector.multi_reduction <minsi>, %select_n3A, %reduce_min3A [1] : vector<2048x128xi32> to vector<2048xi32>
    %broadcast_in_dim3A_28 = vector.shape_cast %reduce_min3A_27 : vector<2048xi32> to vector<2048x1xi32>
    %eq3A_29 = vector.broadcast %broadcast_in_dim3A_28 : vector<2048x1xi32> to vector<2048x128xi32>
    %eq3A_30 = arith.cmpi eq, %iota3A, %eq3A_29 : vector<2048x128xi32>
    %convert_element_type3A = arith.extui %eq3A_30 : vector<2048x128xi1> to vector<2048x128xi32>
    %convert_element_type3A_31 = arith.sitofp %convert_element_type3A : vector<2048x128xi32> to vector<2048x128xf32>
    %reduce_sum3A_32 = arith.constant dense<0.000000e+00> : vector<128xf32>
    %reduce_sum3A_33 = vector.multi_reduction <add>, %div3A_14, %reduce_sum3A_32 [0] : vector<2048x128xf32> to vector<128xf32>
    %broadcast_in_dim3A_34 = vector.shape_cast %reduce_sum3A_33 : vector<128xf32> to vector<1x128xf32>
    %swap3A_35 = arith.constant 0 : index
    %swap3A_36 = arith.constant 0 : index
    %swap3A_37 = vector.load %arg6[%swap3A_35, %swap3A_36] : memref<1x128xf32, #tpu.memory_space<vmem>>, vector<1x128xf32>
    tpu.vector_store %arg6[%swap3A_35, %swap3A_36], %broadcast_in_dim3A_34 {strides = array<i32>} : memref<1x128xf32, #tpu.memory_space<vmem>>, vector<1x128xf32>,
    %iota3A_38 = tpu.iota {dimensions = array<i32: 0>} : vector<128x128xi32>
    %iota3A_39 = tpu.iota {dimensions = array<i32: 1>} : vector<128x128xi32>
    %ge3A = arith.cmpi sge, %iota3A_38, %iota3A_39 : vector<128x128xi32>
    %convert_element_type3A_40 = arith.extui %ge3A : vector<128x128xi1> to vector<128x128xi32>
    %convert_element_type3A_41 = arith.sitofp %convert_element_type3A_40 : vector<128x128xi32> to vector<128x128xf32>
    %broadcast_in_dim3A_42 = arith.constant 0.000000e+00 : f32
    %broadcast_in_dim3A_43 = vector.broadcast %broadcast_in_dim3A_42 : f32 to vector<1x128xf32>
    %iota3A_44 = tpu.iota {dimensions = array<i32: 1>} : vector<128x128xi32>
    %slice3A = vector.extract_strided_slice %convert_element_type3A_31 {offsets = [0, 0], sizes = [128, 128], strides = [1, 1]} : vector<2048x128xf32> to vector<128x128xf32>
    %dot_general3A_45 = arith.constant dense<0.000000e+00> : vector<128x128xf32>
    %dot_general3A_46 = tpu.matmul %convert_element_type3A_41, %slice3A, %dot_general3A_45 {dimension_numbers = #tpu.dot_dimension_numbers<[1], [0], [0], [1], [0, 0, 1, 1], [], []>, transpose_lhs_hint = false} : vector<128x128xf32>, vector<128x128xf32>, vector<128x128xf32> -> vector<128x128xf32>
    %add3A_47 = vector.broadcast %broadcast_in_dim3A_43 : vector<1x128xf32> to vector<128x128xf32>
    %add3A_48 = arith.addf %dot_general3A_46, %add3A_47 : vector<128x128xf32>
    %slice3A_49 = vector.extract_strided_slice %broadcast_in_dim3A_28 {offsets = [0, 0], sizes = [128, 1], strides = [1, 1]} : vector<2048x1xi32> to vector<128x1xi32>
    %eq3A_50 = vector.broadcast %slice3A_49 : vector<128x1xi32> to vector<128x128xi32>
    %eq3A_51 = arith.cmpi eq, %iota3A_44, %eq3A_50 : vector<128x128xi32>
    %jit3A_52 = arith.constant 0.000000e+00 : f32
    %broadcast_in_dim3A_53 = vector.broadcast %jit3A_52 : f32 to vector<128x128xf32>
    %select_n3A_54 = arith.select %eq3A_51, %add3A_48, %broadcast_in_dim3A_53 : vector<128x128xi1>, vector<128x128xf32>
    %reduce_sum3A_55 = arith.constant dense<0.000000e+00> : vector<128xf32>
    %reduce_sum3A_56 = vector.multi_reduction <add>, %select_n3A_54, %reduce_sum3A_55 [1] : vector<128x128xf32> to vector<128xf32>
    %broadcast_in_dim3A_57 = vector.shape_cast %reduce_sum3A_56 : vector<128xf32> to vector<128x1xf32>
    %reduce_sum3A_58 = arith.constant dense<0.000000e+00> : vector<128xf32>
    %reduce_sum3A_59 = vector.multi_reduction <add>, %slice3A, %reduce_sum3A_58 [0] : vector<128x128xf32> to vector<128xf32>
    %broadcast_in_dim3A_60 = vector.shape_cast %reduce_sum3A_59 : vector<128xf32> to vector<1x128xf32>
    %add3A_61 = arith.addf %broadcast_in_dim3A_43, %broadcast_in_dim3A_60 : vector<1x128xf32>
    %slice3A_62 = vector.extract_strided_slice %convert_element_type3A_31 {offsets = [128, 0], sizes = [128, 128], strides = [1, 1]} : vector<2048x128xf32> to vector<128x128xf32>
    %dot_general3A_63 = arith.constant dense<0.000000e+00> : vector<128x128xf32>
    %dot_general3A_64 = tpu.matmul %convert_element_type3A_41, %slice3A_62, %dot_general3A_63 {dimension_numbers = #tpu.dot_dimension_numbers<[1], [0], [0], [1], [0, 0, 1, 1], [], []>, transpose_lhs_hint = false} : vector<128x128xf32>, vector<128x128xf32>, vector<128x128xf32> -> vector<128x128xf32>
    %add3A_65 = vector.broadcast %add3A_61 : vector<1x128xf32> to vector<128x128xf32>
    %add3A_66 = arith.addf %dot_general3A_64, %add3A_65 : vector<128x128xf32>
    %slice3A_67 = vector.extract_strided_slice %broadcast_in_dim3A_28 {offsets = [128, 0], sizes = [128, 1], strides = [1, 1]} : vector<2048x1xi32> to vector<128x1xi32>
    %eq3A_68 = vector.broadcast %slice3A_67 : vector<128x1xi32> to vector<128x128xi32>
    %eq3A_69 = arith.cmpi eq, %iota3A_44, %eq3A_68 : vector<128x128xi32>
    %jit3A_70 = arith.constant 0.000000e+00 : f32
    %broadcast_in_dim3A_71 = vector.broadcast %jit3A_70 : f32 to vector<128x128xf32>
    %select_n3A_72 = arith.select %eq3A_69, %add3A_66, %broadcast_in_dim3A_71 : vector<128x128xi1>, vector<128x128xf32>
    %reduce_sum3A_73 = arith.constant dense<0.000000e+00> : vector<128xf32>
    %reduce_sum3A_74 = vector.multi_reduction <add>, %select_n3A_72, %reduce_sum3A_73 [1] : vector<128x128xf32> to vector<128xf32>
    %broadcast_in_dim3A_75 = vector.shape_cast %reduce_sum3A_74 : vector<128xf32> to vector<128x1xf32>
    %reduce_sum3A_76 = arith.constant dense<0.000000e+00> : vector<128xf32>
    %reduce_sum3A_77 = vector.multi_reduction <add>, %slice3A_62, %reduce_sum3A_76 [0] : vector<128x128xf32> to vector<128xf32>
    %broadcast_in_dim3A_78 = vector.shape_cast %reduce_sum3A_77 : vector<128xf32> to vector<1x128xf32>
    %add3A_79 = arith.addf %add3A_61, %broadcast_in_dim3A_78 : vector<1x128xf32>
    %slice3A_80 = vector.extract_strided_slice %convert_element_type3A_31 {offsets = [256, 0], sizes = [128, 128], strides = [1, 1]} : vector<2048x128xf32> to vector<128x128xf32>
    %dot_general3A_81 = arith.constant dense<0.000000e+00> : vector<128x128xf32>
    %dot_general3A_82 = tpu.matmul %convert_element_type3A_41, %slice3A_80, %dot_general3A_81 {dimension_numbers = #tpu.dot_dimension_numbers<[1], [0], [0], [1], [0, 0, 1, 1], [], []>, transpose_lhs_hint = false} : vector<128x128xf32>, vector<128x128xf32>, vector<128x128xf32> -> vector<128x128xf32>
    %add3A_83 = vector.broadcast %add3A_79 : vector<1x128xf32> to vector<128x128xf32>
    %add3A_84 = arith.addf %dot_general3A_82, %add3A_83 : vector<128x128xf32>
    %slice3A_85 = vector.extract_strided_slice %broadcast_in_dim3A_28 {offsets = [256, 0], sizes = [128, 1], strides = [1, 1]} : vector<2048x1xi32> to vector<128x1xi32>
    %eq3A_86 = vector.broadcast %slice3A_85 : vector<128x1xi32> to vector<128x128xi32>
    %eq3A_87 = arith.cmpi eq, %iota3A_44, %eq3A_86 : vector<128x128xi32>
    %jit3A_88 = arith.constant 0.000000e+00 : f32
    %broadcast_in_dim3A_89 = vector.broadcast %jit3A_88 : f32 to vector<128x128xf32>
    %select_n3A_90 = arith.select %eq3A_87, %add3A_84, %broadcast_in_dim3A_89 : vector<128x128xi1>, vector<128x128xf32>
    %reduce_sum3A_91 = arith.constant dense<0.000000e+00> : vector<128xf32>
    %reduce_sum3A_92 = vector.multi_reduction <add>, %select_n3A_90, %reduce_sum3A_91 [1] : vector<128x128xf32> to vector<128xf32>
    %broadcast_in_dim3A_93 = vector.shape_cast %reduce_sum3A_92 : vector<128xf32> to vector<128x1xf32>
    %reduce_sum3A_94 = arith.constant dense<0.000000e+00> : vector<128xf32>
    %reduce_sum3A_95 = vector.multi_reduction <add>, %slice3A_80, %reduce_sum3A_94 [0] : vector<128x128xf32> to vector<128xf32>
    %broadcast_in_dim3A_96 = vector.shape_cast %reduce_sum3A_95 : vector<128xf32> to vector<1x128xf32>
    %add3A_97 = arith.addf %add3A_79, %broadcast_in_dim3A_96 : vector<1x128xf32>
    %slice3A_98 = vector.extract_strided_slice %convert_element_type3A_31 {offsets = [384, 0], sizes = [128, 128], strides = [1, 1]} : vector<2048x128xf32> to vector<128x128xf32>
    %dot_general3A_99 = arith.constant dense<0.000000e+00> : vector<128x128xf32>
    %dot_general3A_100 = tpu.matmul %convert_element_type3A_41, %slice3A_98, %dot_general3A_99 {dimension_numbers = #tpu.dot_dimension_numbers<[1], [0], [0], [1], [0, 0, 1, 1], [], []>, transpose_lhs_hint = false} : vector<128x128xf32>, vector<128x128xf32>, vector<128x128xf32> -> vector<128x128xf32>
    %add3A_101 = vector.broadcast %add3A_97 : vector<1x128xf32> to vector<128x128xf32>
    %add3A_102 = arith.addf %dot_general3A_100, %add3A_101 : vector<128x128xf32>
    %slice3A_103 = vector.extract_strided_slice %broadcast_in_dim3A_28 {offsets = [384, 0], sizes = [128, 1], strides = [1, 1]} : vector<2048x1xi32> to vector<128x1xi32>
    %eq3A_104 = vector.broadcast %slice3A_103 : vector<128x1xi32> to vector<128x128xi32>
    %eq3A_105 = arith.cmpi eq, %iota3A_44, %eq3A_104 : vector<128x128xi32>
    %jit3A_106 = arith.constant 0.000000e+00 : f32
    %broadcast_in_dim3A_107 = vector.broadcast %jit3A_106 : f32 to vector<128x128xf32>
    %select_n3A_108 = arith.select %eq3A_105, %add3A_102, %broadcast_in_dim3A_107 : vector<128x128xi1>, vector<128x128xf32>
    %reduce_sum3A_109 = arith.constant dense<0.000000e+00> : vector<128xf32>
    %reduce_sum3A_110 = vector.multi_reduction <add>, %select_n3A_108, %reduce_sum3A_109 [1] : vector<128x128xf32> to vector<128xf32>
    %broadcast_in_dim3A_111 = vector.shape_cast %reduce_sum3A_110 : vector<128xf32> to vector<128x1xf32>
    %reduce_sum3A_112 = arith.constant dense<0.000000e+00> : vector<128xf32>
    %reduce_sum3A_113 = vector.multi_reduction <add>, %slice3A_98, %reduce_sum3A_112 [0] : vector<128x128xf32> to vector<128xf32>
    %broadcast_in_dim3A_114 = vector.shape_cast %reduce_sum3A_113 : vector<128xf32> to vector<1x128xf32>
    %add3A_115 = arith.addf %add3A_97, %broadcast_in_dim3A_114 : vector<1x128xf32>
    %slice3A_116 = vector.extract_strided_slice %convert_element_type3A_31 {offsets = [512, 0], sizes = [128, 128], strides = [1, 1]} : vector<2048x128xf32> to vector<128x128xf32>
    %dot_general3A_117 = arith.constant dense<0.000000e+00> : vector<128x128xf32>
    %dot_general3A_118 = tpu.matmul %convert_element_type3A_41, %slice3A_116, %dot_general3A_117 {dimension_numbers = #tpu.dot_dimension_numbers<[1], [0], [0], [1], [0, 0, 1, 1], [], []>, transpose_lhs_hint = false} : vector<128x128xf32>, vector<128x128xf32>, vector<128x128xf32> -> vector<128x128xf32>
    %add3A_119 = vector.broadcast %add3A_115 : vector<1x128xf32> to vector<128x128xf32>
    %add3A_120 = arith.addf %dot_general3A_118, %add3A_119 : vector<128x128xf32>
    %slice3A_121 = vector.extract_strided_slice %broadcast_in_dim3A_28 {offsets = [512, 0], sizes = [128, 1], strides = [1, 1]} : vector<2048x1xi32> to vector<128x1xi32>
    %eq3A_122 = vector.broadcast %slice3A_121 : vector<128x1xi32> to vector<128x128xi32>
    %eq3A_123 = arith.cmpi eq, %iota3A_44, %eq3A_122 : vector<128x128xi32>
    %jit3A_124 = arith.constant 0.000000e+00 : f32
    %broadcast_in_dim3A_125 = vector.broadcast %jit3A_124 : f32 to vector<128x128xf32>
    %select_n3A_126 = arith.select %eq3A_123, %add3A_120, %broadcast_in_dim3A_125 : vector<128x128xi1>, vector<128x128xf32>
    %reduce_sum3A_127 = arith.constant dense<0.000000e+00> : vector<128xf32>
    %reduce_sum3A_128 = vector.multi_reduction <add>, %select_n3A_126, %reduce_sum3A_127 [1] : vector<128x128xf32> to vector<128xf32>
    %broadcast_in_dim3A_129 = vector.shape_cast %reduce_sum3A_128 : vector<128xf32> to vector<128x1xf32>
    %reduce_sum3A_130 = arith.constant dense<0.000000e+00> : vector<128xf32>
    %reduce_sum3A_131 = vector.multi_reduction <add>, %slice3A_116, %reduce_sum3A_130 [0] : vector<128x128xf32> to vector<128xf32>
    %broadcast_in_dim3A_132 = vector.shape_cast %reduce_sum3A_131 : vector<128xf32> to vector<1x128xf32>
    %add3A_133 = arith.addf %add3A_115, %broadcast_in_dim3A_132 : vector<1x128xf32>
    %slice3A_134 = vector.extract_strided_slice %convert_element_type3A_31 {offsets = [640, 0], sizes = [128, 128], strides = [1, 1]} : vector<2048x128xf32> to vector<128x128xf32>
    %dot_general3A_135 = arith.constant dense<0.000000e+00> : vector<128x128xf32>
    %dot_general3A_136 = tpu.matmul %convert_element_type3A_41, %slice3A_134, %dot_general3A_135 {dimension_numbers = #tpu.dot_dimension_numbers<[1], [0], [0], [1], [0, 0, 1, 1], [], []>, transpose_lhs_hint = false} : vector<128x128xf32>, vector<128x128xf32>, vector<128x128xf32> -> vector<128x128xf32>
    %add3A_137 = vector.broadcast %add3A_133 : vector<1x128xf32> to vector<128x128xf32>
    %add3A_138 = arith.addf %dot_general3A_136, %add3A_137 : vector<128x128xf32>
    %slice3A_139 = vector.extract_strided_slice %broadcast_in_dim3A_28 {offsets = [640, 0], sizes = [128, 1], strides = [1, 1]} : vector<2048x1xi32> to vector<128x1xi32>
    %eq3A_140 = vector.broadcast %slice3A_139 : vector<128x1xi32> to vector<128x128xi32>
    %eq3A_141 = arith.cmpi eq, %iota3A_44, %eq3A_140 : vector<128x128xi32>
    %jit3A_142 = arith.constant 0.000000e+00 : f32
    %broadcast_in_dim3A_143 = vector.broadcast %jit3A_142 : f32 to vector<128x128xf32>
    %select_n3A_144 = arith.select %eq3A_141, %add3A_138, %broadcast_in_dim3A_143 : vector<128x128xi1>, vector<128x128xf32>
    %reduce_sum3A_145 = arith.constant dense<0.000000e+00> : vector<128xf32>
    %reduce_sum3A_146 = vector.multi_reduction <add>, %select_n3A_144, %reduce_sum3A_145 [1] : vector<128x128xf32> to vector<128xf32>
    %broadcast_in_dim3A_147 = vector.shape_cast %reduce_sum3A_146 : vector<128xf32> to vector<128x1xf32>
    %reduce_sum3A_148 = arith.constant dense<0.000000e+00> : vector<128xf32>
    %reduce_sum3A_149 = vector.multi_reduction <add>, %slice3A_134, %reduce_sum3A_148 [0] : vector<128x128xf32> to vector<128xf32>
    %broadcast_in_dim3A_150 = vector.shape_cast %reduce_sum3A_149 : vector<128xf32> to vector<1x128xf32>
    %add3A_151 = arith.addf %add3A_133, %broadcast_in_dim3A_150 : vector<1x128xf32>
    %slice3A_152 = vector.extract_strided_slice %convert_element_type3A_31 {offsets = [768, 0], sizes = [128, 128], strides = [1, 1]} : vector<2048x128xf32> to vector<128x128xf32>
    %dot_general3A_153 = arith.constant dense<0.000000e+00> : vector<128x128xf32>
    %dot_general3A_154 = tpu.matmul %convert_element_type3A_41, %slice3A_152, %dot_general3A_153 {dimension_numbers = #tpu.dot_dimension_numbers<[1], [0], [0], [1], [0, 0, 1, 1], [], []>, transpose_lhs_hint = false} : vector<128x128xf32>, vector<128x128xf32>, vector<128x128xf32> -> vector<128x128xf32>
    %add3A_155 = vector.broadcast %add3A_151 : vector<1x128xf32> to vector<128x128xf32>
    %add3A_156 = arith.addf %dot_general3A_154, %add3A_155 : vector<128x128xf32>
    %slice3A_157 = vector.extract_strided_slice %broadcast_in_dim3A_28 {offsets = [768, 0], sizes = [128, 1], strides = [1, 1]} : vector<2048x1xi32> to vector<128x1xi32>
    %eq3A_158 = vector.broadcast %slice3A_157 : vector<128x1xi32> to vector<128x128xi32>
    %eq3A_159 = arith.cmpi eq, %iota3A_44, %eq3A_158 : vector<128x128xi32>
    %jit3A_160 = arith.constant 0.000000e+00 : f32
    %broadcast_in_dim3A_161 = vector.broadcast %jit3A_160 : f32 to vector<128x128xf32>
    %select_n3A_162 = arith.select %eq3A_159, %add3A_156, %broadcast_in_dim3A_161 : vector<128x128xi1>, vector<128x128xf32>
    %reduce_sum3A_163 = arith.constant dense<0.000000e+00> : vector<128xf32>
    %reduce_sum3A_164 = vector.multi_reduction <add>, %select_n3A_162, %reduce_sum3A_163 [1] : vector<128x128xf32> to vector<128xf32>
    %broadcast_in_dim3A_165 = vector.shape_cast %reduce_sum3A_164 : vector<128xf32> to vector<128x1xf32>
    %reduce_sum3A_166 = arith.constant dense<0.000000e+00> : vector<128xf32>
    %reduce_sum3A_167 = vector.multi_reduction <add>, %slice3A_152, %reduce_sum3A_166 [0] : vector<128x128xf32> to vector<128xf32>
    %broadcast_in_dim3A_168 = vector.shape_cast %reduce_sum3A_167 : vector<128xf32> to vector<1x128xf32>
    %add3A_169 = arith.addf %add3A_151, %broadcast_in_dim3A_168 : vector<1x128xf32>
    %slice3A_170 = vector.extract_strided_slice %convert_element_type3A_31 {offsets = [896, 0], sizes = [128, 128], strides = [1, 1]} : vector<2048x128xf32> to vector<128x128xf32>
    %dot_general3A_171 = arith.constant dense<0.000000e+00> : vector<128x128xf32>
    %dot_general3A_172 = tpu.matmul %convert_element_type3A_41, %slice3A_170, %dot_general3A_171 {dimension_numbers = #tpu.dot_dimension_numbers<[1], [0], [0], [1], [0, 0, 1, 1], [], []>, transpose_lhs_hint = false} : vector<128x128xf32>, vector<128x128xf32>, vector<128x128xf32> -> vector<128x128xf32>
    %add3A_173 = vector.broadcast %add3A_169 : vector<1x128xf32> to vector<128x128xf32>
    %add3A_174 = arith.addf %dot_general3A_172, %add3A_173 : vector<128x128xf32>
    %slice3A_175 = vector.extract_strided_slice %broadcast_in_dim3A_28 {offsets = [896, 0], sizes = [128, 1], strides = [1, 1]} : vector<2048x1xi32> to vector<128x1xi32>
    %eq3A_176 = vector.broadcast %slice3A_175 : vector<128x1xi32> to vector<128x128xi32>
    %eq3A_177 = arith.cmpi eq, %iota3A_44, %eq3A_176 : vector<128x128xi32>
    %jit3A_178 = arith.constant 0.000000e+00 : f32
    %broadcast_in_dim3A_179 = vector.broadcast %jit3A_178 : f32 to vector<128x128xf32>
    %select_n3A_180 = arith.select %eq3A_177, %add3A_174, %broadcast_in_dim3A_179 : vector<128x128xi1>, vector<128x128xf32>
    %reduce_sum3A_181 = arith.constant dense<0.000000e+00> : vector<128xf32>
    %reduce_sum3A_182 = vector.multi_reduction <add>, %select_n3A_180, %reduce_sum3A_181 [1] : vector<128x128xf32> to vector<128xf32>
    %broadcast_in_dim3A_183 = vector.shape_cast %reduce_sum3A_182 : vector<128xf32> to vector<128x1xf32>
    %reduce_sum3A_184 = arith.constant dense<0.000000e+00> : vector<128xf32>
    %reduce_sum3A_185 = vector.multi_reduction <add>, %slice3A_170, %reduce_sum3A_184 [0] : vector<128x128xf32> to vector<128xf32>
    %broadcast_in_dim3A_186 = vector.shape_cast %reduce_sum3A_185 : vector<128xf32> to vector<1x128xf32>
    %add3A_187 = arith.addf %add3A_169, %broadcast_in_dim3A_186 : vector<1x128xf32>
    %slice3A_188 = vector.extract_strided_slice %convert_element_type3A_31 {offsets = [1024, 0], sizes = [128, 128], strides = [1, 1]} : vector<2048x128xf32> to vector<128x128xf32>
    %dot_general3A_189 = arith.constant dense<0.000000e+00> : vector<128x128xf32>
    %dot_general3A_190 = tpu.matmul %convert_element_type3A_41, %slice3A_188, %dot_general3A_189 {dimension_numbers = #tpu.dot_dimension_numbers<[1], [0], [0], [1], [0, 0, 1, 1], [], []>, transpose_lhs_hint = false} : vector<128x128xf32>, vector<128x128xf32>, vector<128x128xf32> -> vector<128x128xf32>
    %add3A_191 = vector.broadcast %add3A_187 : vector<1x128xf32> to vector<128x128xf32>
    %add3A_192 = arith.addf %dot_general3A_190, %add3A_191 : vector<128x128xf32>
    %slice3A_193 = vector.extract_strided_slice %broadcast_in_dim3A_28 {offsets = [1024, 0], sizes = [128, 1], strides = [1, 1]} : vector<2048x1xi32> to vector<128x1xi32>
    %eq3A_194 = vector.broadcast %slice3A_193 : vector<128x1xi32> to vector<128x128xi32>
    %eq3A_195 = arith.cmpi eq, %iota3A_44, %eq3A_194 : vector<128x128xi32>
    %jit3A_196 = arith.constant 0.000000e+00 : f32
    %broadcast_in_dim3A_197 = vector.broadcast %jit3A_196 : f32 to vector<128x128xf32>
    %select_n3A_198 = arith.select %eq3A_195, %add3A_192, %broadcast_in_dim3A_197 : vector<128x128xi1>, vector<128x128xf32>
    %reduce_sum3A_199 = arith.constant dense<0.000000e+00> : vector<128xf32>
    %reduce_sum3A_200 = vector.multi_reduction <add>, %select_n3A_198, %reduce_sum3A_199 [1] : vector<128x128xf32> to vector<128xf32>
    %broadcast_in_dim3A_201 = vector.shape_cast %reduce_sum3A_200 : vector<128xf32> to vector<128x1xf32>
    %reduce_sum3A_202 = arith.constant dense<0.000000e+00> : vector<128xf32>
    %reduce_sum3A_203 = vector.multi_reduction <add>, %slice3A_188, %reduce_sum3A_202 [0] : vector<128x128xf32> to vector<128xf32>
    %broadcast_in_dim3A_204 = vector.shape_cast %reduce_sum3A_203 : vector<128xf32> to vector<1x128xf32>
    %add3A_205 = arith.addf %add3A_187, %broadcast_in_dim3A_204 : vector<1x128xf32>
    %slice3A_206 = vector.extract_strided_slice %convert_element_type3A_31 {offsets = [1152, 0], sizes = [128, 128], strides = [1, 1]} : vector<2048x128xf32> to vector<128x128xf32>
    %dot_general3A_207 = arith.constant dense<0.000000e+00> : vector<128x128xf32>
    %dot_general3A_208 = tpu.matmul %convert_element_type3A_41, %slice3A_206, %dot_general3A_207 {dimension_numbers = #tpu.dot_dimension_numbers<[1], [0], [0], [1], [0, 0, 1, 1], [], []>, transpose_lhs_hint = false} : vector<128x128xf32>, vector<128x128xf32>, vector<128x128xf32> -> vector<128x128xf32>
    %add3A_209 = vector.broadcast %add3A_205 : vector<1x128xf32> to vector<128x128xf32>
    %add3A_210 = arith.addf %dot_general3A_208, %add3A_209 : vector<128x128xf32>
    %slice3A_211 = vector.extract_strided_slice %broadcast_in_dim3A_28 {offsets = [1152, 0], sizes = [128, 1], strides = [1, 1]} : vector<2048x1xi32> to vector<128x1xi32>
    %eq3A_212 = vector.broadcast %slice3A_211 : vector<128x1xi32> to vector<128x128xi32>
    %eq3A_213 = arith.cmpi eq, %iota3A_44, %eq3A_212 : vector<128x128xi32>
    %jit3A_214 = arith.constant 0.000000e+00 : f32
    %broadcast_in_dim3A_215 = vector.broadcast %jit3A_214 : f32 to vector<128x128xf32>
    %select_n3A_216 = arith.select %eq3A_213, %add3A_210, %broadcast_in_dim3A_215 : vector<128x128xi1>, vector<128x128xf32>
    %reduce_sum3A_217 = arith.constant dense<0.000000e+00> : vector<128xf32>
    %reduce_sum3A_218 = vector.multi_reduction <add>, %select_n3A_216, %reduce_sum3A_217 [1] : vector<128x128xf32> to vector<128xf32>
    %broadcast_in_dim3A_219 = vector.shape_cast %reduce_sum3A_218 : vector<128xf32> to vector<128x1xf32>
    %reduce_sum3A_220 = arith.constant dense<0.000000e+00> : vector<128xf32>
    %reduce_sum3A_221 = vector.multi_reduction <add>, %slice3A_206, %reduce_sum3A_220 [0] : vector<128x128xf32> to vector<128xf32>
    %broadcast_in_dim3A_222 = vector.shape_cast %reduce_sum3A_221 : vector<128xf32> to vector<1x128xf32>
    %add3A_223 = arith.addf %add3A_205, %broadcast_in_dim3A_222 : vector<1x128xf32>
    %slice3A_224 = vector.extract_strided_slice %convert_element_type3A_31 {offsets = [1280, 0], sizes = [128, 128], strides = [1, 1]} : vector<2048x128xf32> to vector<128x128xf32>
    %dot_general3A_225 = arith.constant dense<0.000000e+00> : vector<128x128xf32>
    %dot_general3A_226 = tpu.matmul %convert_element_type3A_41, %slice3A_224, %dot_general3A_225 {dimension_numbers = #tpu.dot_dimension_numbers<[1], [0], [0], [1], [0, 0, 1, 1], [], []>, transpose_lhs_hint = false} : vector<128x128xf32>, vector<128x128xf32>, vector<128x128xf32> -> vector<128x128xf32>
    %add3A_227 = vector.broadcast %add3A_223 : vector<1x128xf32> to vector<128x128xf32>
    %add3A_228 = arith.addf %dot_general3A_226, %add3A_227 : vector<128x128xf32>
    %slice3A_229 = vector.extract_strided_slice %broadcast_in_dim3A_28 {offsets = [1280, 0], sizes = [128, 1], strides = [1, 1]} : vector<2048x1xi32> to vector<128x1xi32>
    %eq3A_230 = vector.broadcast %slice3A_229 : vector<128x1xi32> to vector<128x128xi32>
    %eq3A_231 = arith.cmpi eq, %iota3A_44, %eq3A_230 : vector<128x128xi32>
    %jit3A_232 = arith.constant 0.000000e+00 : f32
    %broadcast_in_dim3A_233 = vector.broadcast %jit3A_232 : f32 to vector<128x128xf32>
    %select_n3A_234 = arith.select %eq3A_231, %add3A_228, %broadcast_in_dim3A_233 : vector<128x128xi1>, vector<128x128xf32>
    %reduce_sum3A_235 = arith.constant dense<0.000000e+00> : vector<128xf32>
    %reduce_sum3A_236 = vector.multi_reduction <add>, %select_n3A_234, %reduce_sum3A_235 [1] : vector<128x128xf32> to vector<128xf32>
    %broadcast_in_dim3A_237 = vector.shape_cast %reduce_sum3A_236 : vector<128xf32> to vector<128x1xf32>
    %reduce_sum3A_238 = arith.constant dense<0.000000e+00> : vector<128xf32>
    %reduce_sum3A_239 = vector.multi_reduction <add>, %slice3A_224, %reduce_sum3A_238 [0] : vector<128x128xf32> to vector<128xf32>
    %broadcast_in_dim3A_240 = vector.shape_cast %reduce_sum3A_239 : vector<128xf32> to vector<1x128xf32>
    %add3A_241 = arith.addf %add3A_223, %broadcast_in_dim3A_240 : vector<1x128xf32>
    %slice3A_242 = vector.extract_strided_slice %convert_element_type3A_31 {offsets = [1408, 0], sizes = [128, 128], strides = [1, 1]} : vector<2048x128xf32> to vector<128x128xf32>
    %dot_general3A_243 = arith.constant dense<0.000000e+00> : vector<128x128xf32>
    %dot_general3A_244 = tpu.matmul %convert_element_type3A_41, %slice3A_242, %dot_general3A_243 {dimension_numbers = #tpu.dot_dimension_numbers<[1], [0], [0], [1], [0, 0, 1, 1], [], []>, transpose_lhs_hint = false} : vector<128x128xf32>, vector<128x128xf32>, vector<128x128xf32> -> vector<128x128xf32>
    %add3A_245 = vector.broadcast %add3A_241 : vector<1x128xf32> to vector<128x128xf32>
    %add3A_246 = arith.addf %dot_general3A_244, %add3A_245 : vector<128x128xf32>
    %slice3A_247 = vector.extract_strided_slice %broadcast_in_dim3A_28 {offsets = [1408, 0], sizes = [128, 1], strides = [1, 1]} : vector<2048x1xi32> to vector<128x1xi32>
    %eq3A_248 = vector.broadcast %slice3A_247 : vector<128x1xi32> to vector<128x128xi32>
    %eq3A_249 = arith.cmpi eq, %iota3A_44, %eq3A_248 : vector<128x128xi32>
    %jit3A_250 = arith.constant 0.000000e+00 : f32
    %broadcast_in_dim3A_251 = vector.broadcast %jit3A_250 : f32 to vector<128x128xf32>
    %select_n3A_252 = arith.select %eq3A_249, %add3A_246, %broadcast_in_dim3A_251 : vector<128x128xi1>, vector<128x128xf32>
    %reduce_sum3A_253 = arith.constant dense<0.000000e+00> : vector<128xf32>
    %reduce_sum3A_254 = vector.multi_reduction <add>, %select_n3A_252, %reduce_sum3A_253 [1] : vector<128x128xf32> to vector<128xf32>
    %broadcast_in_dim3A_255 = vector.shape_cast %reduce_sum3A_254 : vector<128xf32> to vector<128x1xf32>
    %reduce_sum3A_256 = arith.constant dense<0.000000e+00> : vector<128xf32>
    %reduce_sum3A_257 = vector.multi_reduction <add>, %slice3A_242, %reduce_sum3A_256 [0] : vector<128x128xf32> to vector<128xf32>
    %broadcast_in_dim3A_258 = vector.shape_cast %reduce_sum3A_257 : vector<128xf32> to vector<1x128xf32>
    %add3A_259 = arith.addf %add3A_241, %broadcast_in_dim3A_258 : vector<1x128xf32>
    %slice3A_260 = vector.extract_strided_slice %convert_element_type3A_31 {offsets = [1536, 0], sizes = [128, 128], strides = [1, 1]} : vector<2048x128xf32> to vector<128x128xf32>
    %dot_general3A_261 = arith.constant dense<0.000000e+00> : vector<128x128xf32>
    %dot_general3A_262 = tpu.matmul %convert_element_type3A_41, %slice3A_260, %dot_general3A_261 {dimension_numbers = #tpu.dot_dimension_numbers<[1], [0], [0], [1], [0, 0, 1, 1], [], []>, transpose_lhs_hint = false} : vector<128x128xf32>, vector<128x128xf32>, vector<128x128xf32> -> vector<128x128xf32>
    %add3A_263 = vector.broadcast %add3A_259 : vector<1x128xf32> to vector<128x128xf32>
    %add3A_264 = arith.addf %dot_general3A_262, %add3A_263 : vector<128x128xf32>
    %slice3A_265 = vector.extract_strided_slice %broadcast_in_dim3A_28 {offsets = [1536, 0], sizes = [128, 1], strides = [1, 1]} : vector<2048x1xi32> to vector<128x1xi32>
    %eq3A_266 = vector.broadcast %slice3A_265 : vector<128x1xi32> to vector<128x128xi32>
    %eq3A_267 = arith.cmpi eq, %iota3A_44, %eq3A_266 : vector<128x128xi32>
    %jit3A_268 = arith.constant 0.000000e+00 : f32
    %broadcast_in_dim3A_269 = vector.broadcast %jit3A_268 : f32 to vector<128x128xf32>
    %select_n3A_270 = arith.select %eq3A_267, %add3A_264, %broadcast_in_dim3A_269 : vector<128x128xi1>, vector<128x128xf32>
    %reduce_sum3A_271 = arith.constant dense<0.000000e+00> : vector<128xf32>
    %reduce_sum3A_272 = vector.multi_reduction <add>, %select_n3A_270, %reduce_sum3A_271 [1] : vector<128x128xf32> to vector<128xf32>
    %broadcast_in_dim3A_273 = vector.shape_cast %reduce_sum3A_272 : vector<128xf32> to vector<128x1xf32>
    %reduce_sum3A_274 = arith.constant dense<0.000000e+00> : vector<128xf32>
    %reduce_sum3A_275 = vector.multi_reduction <add>, %slice3A_260, %reduce_sum3A_274 [0] : vector<128x128xf32> to vector<128xf32>
    %broadcast_in_dim3A_276 = vector.shape_cast %reduce_sum3A_275 : vector<128xf32> to vector<1x128xf32>
    %add3A_277 = arith.addf %add3A_259, %broadcast_in_dim3A_276 : vector<1x128xf32>
    %slice3A_278 = vector.extract_strided_slice %convert_element_type3A_31 {offsets = [1664, 0], sizes = [128, 128], strides = [1, 1]} : vector<2048x128xf32> to vector<128x128xf32>
    %dot_general3A_279 = arith.constant dense<0.000000e+00> : vector<128x128xf32>
    %dot_general3A_280 = tpu.matmul %convert_element_type3A_41, %slice3A_278, %dot_general3A_279 {dimension_numbers = #tpu.dot_dimension_numbers<[1], [0], [0], [1], [0, 0, 1, 1], [], []>, transpose_lhs_hint = false} : vector<128x128xf32>, vector<128x128xf32>, vector<128x128xf32> -> vector<128x128xf32>
    %add3A_281 = vector.broadcast %add3A_277 : vector<1x128xf32> to vector<128x128xf32>
    %add3A_282 = arith.addf %dot_general3A_280, %add3A_281 : vector<128x128xf32>
    %slice3A_283 = vector.extract_strided_slice %broadcast_in_dim3A_28 {offsets = [1664, 0], sizes = [128, 1], strides = [1, 1]} : vector<2048x1xi32> to vector<128x1xi32>
    %eq3A_284 = vector.broadcast %slice3A_283 : vector<128x1xi32> to vector<128x128xi32>
    %eq3A_285 = arith.cmpi eq, %iota3A_44, %eq3A_284 : vector<128x128xi32>
    %jit3A_286 = arith.constant 0.000000e+00 : f32
    %broadcast_in_dim3A_287 = vector.broadcast %jit3A_286 : f32 to vector<128x128xf32>
    %select_n3A_288 = arith.select %eq3A_285, %add3A_282, %broadcast_in_dim3A_287 : vector<128x128xi1>, vector<128x128xf32>
    %reduce_sum3A_289 = arith.constant dense<0.000000e+00> : vector<128xf32>
    %reduce_sum3A_290 = vector.multi_reduction <add>, %select_n3A_288, %reduce_sum3A_289 [1] : vector<128x128xf32> to vector<128xf32>
    %broadcast_in_dim3A_291 = vector.shape_cast %reduce_sum3A_290 : vector<128xf32> to vector<128x1xf32>
    %reduce_sum3A_292 = arith.constant dense<0.000000e+00> : vector<128xf32>
    %reduce_sum3A_293 = vector.multi_reduction <add>, %slice3A_278, %reduce_sum3A_292 [0] : vector<128x128xf32> to vector<128xf32>
    %broadcast_in_dim3A_294 = vector.shape_cast %reduce_sum3A_293 : vector<128xf32> to vector<1x128xf32>
    %add3A_295 = arith.addf %add3A_277, %broadcast_in_dim3A_294 : vector<1x128xf32>
    %slice3A_296 = vector.extract_strided_slice %convert_element_type3A_31 {offsets = [1792, 0], sizes = [128, 128], strides = [1, 1]} : vector<2048x128xf32> to vector<128x128xf32>
    %dot_general3A_297 = arith.constant dense<0.000000e+00> : vector<128x128xf32>
    %dot_general3A_298 = tpu.matmul %convert_element_type3A_41, %slice3A_296, %dot_general3A_297 {dimension_numbers = #tpu.dot_dimension_numbers<[1], [0], [0], [1], [0, 0, 1, 1], [], []>, transpose_lhs_hint = false} : vector<128x128xf32>, vector<128x128xf32>, vector<128x128xf32> -> vector<128x128xf32>
    %add3A_299 = vector.broadcast %add3A_295 : vector<1x128xf32> to vector<128x128xf32>
    %add3A_300 = arith.addf %dot_general3A_298, %add3A_299 : vector<128x128xf32>
    %slice3A_301 = vector.extract_strided_slice %broadcast_in_dim3A_28 {offsets = [1792, 0], sizes = [128, 1], strides = [1, 1]} : vector<2048x1xi32> to vector<128x1xi32>
    %eq3A_302 = vector.broadcast %slice3A_301 : vector<128x1xi32> to vector<128x128xi32>
    %eq3A_303 = arith.cmpi eq, %iota3A_44, %eq3A_302 : vector<128x128xi32>
    %jit3A_304 = arith.constant 0.000000e+00 : f32
    %broadcast_in_dim3A_305 = vector.broadcast %jit3A_304 : f32 to vector<128x128xf32>
    %select_n3A_306 = arith.select %eq3A_303, %add3A_300, %broadcast_in_dim3A_305 : vector<128x128xi1>, vector<128x128xf32>
    %reduce_sum3A_307 = arith.constant dense<0.000000e+00> : vector<128xf32>
    %reduce_sum3A_308 = vector.multi_reduction <add>, %select_n3A_306, %reduce_sum3A_307 [1] : vector<128x128xf32> to vector<128xf32>
    %broadcast_in_dim3A_309 = vector.shape_cast %reduce_sum3A_308 : vector<128xf32> to vector<128x1xf32>
    %reduce_sum3A_310 = arith.constant dense<0.000000e+00> : vector<128xf32>
    %reduce_sum3A_311 = vector.multi_reduction <add>, %slice3A_296, %reduce_sum3A_310 [0] : vector<128x128xf32> to vector<128xf32>
    %broadcast_in_dim3A_312 = vector.shape_cast %reduce_sum3A_311 : vector<128xf32> to vector<1x128xf32>
    %add3A_313 = arith.addf %add3A_295, %broadcast_in_dim3A_312 : vector<1x128xf32>
    %slice3A_314 = vector.extract_strided_slice %convert_element_type3A_31 {offsets = [1920, 0], sizes = [128, 128], strides = [1, 1]} : vector<2048x128xf32> to vector<128x128xf32>
    %dot_general3A_315 = arith.constant dense<0.000000e+00> : vector<128x128xf32>
    %dot_general3A_316 = tpu.matmul %convert_element_type3A_41, %slice3A_314, %dot_general3A_315 {dimension_numbers = #tpu.dot_dimension_numbers<[1], [0], [0], [1], [0, 0, 1, 1], [], []>, transpose_lhs_hint = false} : vector<128x128xf32>, vector<128x128xf32>, vector<128x128xf32> -> vector<128x128xf32>
    %add3A_317 = vector.broadcast %add3A_313 : vector<1x128xf32> to vector<128x128xf32>
    %add3A_318 = arith.addf %dot_general3A_316, %add3A_317 : vector<128x128xf32>
    %slice3A_319 = vector.extract_strided_slice %broadcast_in_dim3A_28 {offsets = [1920, 0], sizes = [128, 1], strides = [1, 1]} : vector<2048x1xi32> to vector<128x1xi32>
    %eq3A_320 = vector.broadcast %slice3A_319 : vector<128x1xi32> to vector<128x128xi32>
    %eq3A_321 = arith.cmpi eq, %iota3A_44, %eq3A_320 : vector<128x128xi32>
    %jit3A_322 = arith.constant 0.000000e+00 : f32
    %broadcast_in_dim3A_323 = vector.broadcast %jit3A_322 : f32 to vector<128x128xf32>
    %select_n3A_324 = arith.select %eq3A_321, %add3A_318, %broadcast_in_dim3A_323 : vector<128x128xi1>, vector<128x128xf32>
    %reduce_sum3A_325 = arith.constant dense<0.000000e+00> : vector<128xf32>
    %reduce_sum3A_326 = vector.multi_reduction <add>, %select_n3A_324, %reduce_sum3A_325 [1] : vector<128x128xf32> to vector<128xf32>
    %broadcast_in_dim3A_327 = vector.shape_cast %reduce_sum3A_326 : vector<128xf32> to vector<128x1xf32>
    %reduce_sum3A_328 = arith.constant dense<0.000000e+00> : vector<128xf32>
    %reduce_sum3A_329 = vector.multi_reduction <add>, %slice3A_314, %reduce_sum3A_328 [0] : vector<128x128xf32> to vector<128xf32>
    %broadcast_in_dim3A_330 = vector.shape_cast %reduce_sum3A_329 : vector<128xf32> to vector<1x128xf32>
    %add3A_331 = arith.addf %add3A_313, %broadcast_in_dim3A_330 : vector<1x128xf32>
    %concatenate3A = tpu.concatenate %broadcast_in_dim3A_57, %broadcast_in_dim3A_75, %broadcast_in_dim3A_93, %broadcast_in_dim3A_111, %broadcast_in_dim3A_129, %broadcast_in_dim3A_147, %broadcast_in_dim3A_165, %broadcast_in_dim3A_183, %broadcast_in_dim3A_201, %broadcast_in_dim3A_219, %broadcast_in_dim3A_237, %broadcast_in_dim3A_255, %broadcast_in_dim3A_273, %broadcast_in_dim3A_291, %broadcast_in_dim3A_309, %broadcast_in_dim3A_327 in 0 : vector<128x1xf32>, vector<128x1xf32>, vector<128x1xf32>, vector<128x1xf32>, vector<128x1xf32>, vector<128x1xf32>, vector<128x1xf32>, vector<128x1xf32>, vector<128x1xf32>, vector<128x1xf32>, vector<128x1xf32>, vector<128x1xf32>, vector<128x1xf32>, vector<128x1xf32>, vector<128x1xf32>, vector<128x1xf32> -> vector<2048x1xf32>
    %convert_element_type3A_332 = arith.fptosi %add3A_331 : vector<1x128xf32> to vector<1x128xi32>
    %swap3A_333 = arith.constant 0 : index
    %swap3A_334 = arith.constant 0 : index
    %swap3A_335 = vector.load %arg5[%swap3A_333, %swap3A_334] : memref<1x128xi32, #tpu.memory_space<vmem>>, vector<1x128xi32>
    tpu.vector_store %arg5[%swap3A_333, %swap3A_334], %convert_element_type3A_332 {strides = array<i32>} : memref<1x128xi32, #tpu.memory_space<vmem>>, vector<1x128xi32>,
    %iota3A_336 = tpu.iota {dimensions = array<i32: 0>} : vector<128x128xi32>
    %iota3A_337 = tpu.iota {dimensions = array<i32: 1>} : vector<128x128xi32>
    %lt3A = arith.cmpi slt, %iota3A_336, %iota3A_337 : vector<128x128xi32>
    %convert_element_type3A_338 = arith.extui %lt3A : vector<128x128xi1> to vector<128x128xi32>
    %convert_element_type3A_339 = arith.sitofp %convert_element_type3A_338 : vector<128x128xi32> to vector<128x128xf32>
    %dot_general3A_340 = arith.constant dense<0.000000e+00> : vector<1x128xf32>
    %dot_general3A_341 = tpu.matmul %add3A_331, %convert_element_type3A_339, %dot_general3A_340 {dimension_numbers = #tpu.dot_dimension_numbers<[1], [0], [0], [1], [0, 0, 1, 1], [], []>, precision = #tpu.contract_precision<fp32>, transpose_lhs_hint = false} : vector<1x128xf32>, vector<128x128xf32>, vector<1x128xf32> -> vector<1x128xf32>
    %eq3A_342 = vector.broadcast %broadcast_in_dim3A_28 : vector<2048x1xi32> to vector<2048x128xi32>
    %eq3A_343 = arith.cmpi eq, %iota3A, %eq3A_342 : vector<2048x128xi32>
    %jit3A_344 = arith.constant 0.000000e+00 : f32
    %broadcast_in_dim3A_345 = vector.shape_cast %dot_general3A_341 : vector<1x128xf32> to vector<1x128xf32>
    %broadcast_in_dim3A_346 = vector.broadcast %broadcast_in_dim3A_345 : vector<1x128xf32> to vector<2048x128xf32>
    %broadcast_in_dim3A_347 = vector.broadcast %jit3A_344 : f32 to vector<2048x128xf32>
    %select_n3A_348 = arith.select %eq3A_343, %broadcast_in_dim3A_346, %broadcast_in_dim3A_347 : vector<2048x128xi1>, vector<2048x128xf32>
    %reduce_sum3A_349 = arith.constant dense<0.000000e+00> : vector<2048xf32>
    %reduce_sum3A_350 = vector.multi_reduction <add>, %select_n3A_348, %reduce_sum3A_349 [1] : vector<2048x128xf32> to vector<2048xf32>
    %broadcast_in_dim3A_351 = vector.shape_cast %reduce_sum3A_350 : vector<2048xf32> to vector<2048x1xf32>
    %sub3A_352 = arith.constant 1.000000e+00 : f32
    %sub3A_353 = vector.broadcast %sub3A_352 : f32 to vector<2048x1xf32>
    %sub3A_354 = arith.subf %concatenate3A, %sub3A_353 : vector<2048x1xf32>
    %add3A_355 = arith.addf %sub3A_354, %broadcast_in_dim3A_351 : vector<2048x1xf32>
    %convert_element_type3A_356 = arith.fptosi %add3A_355 : vector<2048x1xf32> to vector<2048x1xi32>
    %swap3A_357 = arith.constant 0 : index
    %swap3A_358 = arith.constant 0 : index
    %swap3A_359 = vector.load %arg3[%swap3A_357, %swap3A_358] : memref<2048x1xi32, #tpu.memory_space<vmem>>, vector<2048x1xi32>
    tpu.vector_store %arg3[%swap3A_357, %swap3A_358], %convert_element_type3A_356 {strides = array<i32>} : memref<2048x1xi32, #tpu.memory_space<vmem>>, vector<2048x1xi32>,
    return
  }
}

module attributes {stable_mosaic.version = 14 : i64} {
  func.func @_ffn_body(%arg0: i32, %arg1: memref<15xi32, #tpu.memory_space<smem>>, %arg2: memref<15xi32, #tpu.memory_space<smem>>, %arg3: memref<15xi32, #tpu.memory_space<smem>>, %arg4: memref<15xi32, #tpu.memory_space<smem>>, %arg5: memref<256x768xf32, #tpu.memory_space<vmem>>, %arg6: memref<1x768x2048xf32, #tpu.memory_space<vmem>>, %arg7: memref<1x1x2048xf32, #tpu.memory_space<vmem>>, %arg8: memref<1x2048x768xf32, #tpu.memory_space<vmem>>, %arg9: memref<1x1x768xf32, #tpu.memory_space<vmem>>, %arg10: memref<256x128xf32, #tpu.memory_space<vmem>>, %arg11: memref<2048x1x768xf32, #tpu.memory_space<vmem>>) attributes {dimension_semantics = [#tpu.dimension_semantics<arbitrary>], iteration_bounds = array<i64: 15>, scalar_prefetch = 4 : i64, scratch_operands = 0 : i64, tpu.core_type = #tpu.core_type<tc>, window_params = [{transform_indices = @transform_0, window_bounds = array<i64: 256, 768>}, {transform_indices = @transform_1, window_bounds = array<i64: 1, 768, 2048>}, {transform_indices = @transform_2, window_bounds = array<i64: 1, 1, 2048>}, {transform_indices = @transform_3, window_bounds = array<i64: 1, 2048, 768>}, {transform_indices = @transform_4, window_bounds = array<i64: 1, 1, 768>}, {transform_indices = @transform_5, window_bounds = array<i64: 256, 128>}, {pipeline_mode = #tpu.pipeline_mode<synchronous>, transform_indices = @transform_6, window_bounds = array<i64: 2048, 1, 768>}]} {
    %get3A = arith.index_cast %arg0 : i32 to index
    %get3A_0 = memref.load %arg1[%get3A] : memref<15xi32, #tpu.memory_space<smem>>
    %get3A_1 = arith.constant 0 : index
    %get3A_2 = arith.constant 0 : index
    %get3A_3 = vector.load %arg5[%get3A_1, %get3A_2] : memref<256x768xf32, #tpu.memory_space<vmem>>, vector<256x768xf32>
    %get3A_4 = arith.constant 0 : index
    %get3A_5 = arith.constant 0 : index
    %get3A_6 = arith.constant 0 : index
    %get3A_7 = vector.load %arg6[%get3A_4, %get3A_5, %get3A_6] : memref<1x768x2048xf32, #tpu.memory_space<vmem>>, vector<1x768x2048xf32>
    %get3A_8 = vector.shape_cast %get3A_7 : vector<1x768x2048xf32> to vector<768x2048xf32>
    %dot_general3A = arith.constant dense<0.000000e+00> : vector<256x2048xf32>
    %dot_general3A_9 = tpu.matmul %get3A_3, %get3A_8, %dot_general3A {dimension_numbers = #tpu.dot_dimension_numbers<[1], [0], [0], [1], [0, 0, 1, 1], [], []>, transpose_lhs_hint = false} : vector<256x768xf32>, vector<768x2048xf32>, vector<256x2048xf32> -> vector<256x2048xf32>
    %get3A_10 = arith.constant 0 : index
    %get3A_11 = arith.constant 0 : index
    %get3A_12 = arith.constant 0 : index
    %get3A_13 = vector.load %arg7[%get3A_10, %get3A_11, %get3A_12] : memref<1x1x2048xf32, #tpu.memory_space<vmem>>, vector<1x1x2048xf32>
    %get3A_14 = vector.shape_cast %get3A_13 : vector<1x1x2048xf32> to vector<1x2048xf32>
    %add3A = vector.broadcast %get3A_14 : vector<1x2048xf32> to vector<256x2048xf32>
    %add3A_15 = arith.addf %dot_general3A_9, %add3A : vector<256x2048xf32>
    %max3A = arith.constant 0.000000e+00 : f32
    %max3A_16 = vector.broadcast %max3A : f32 to vector<256x2048xf32>
    %max3A_17 = arith.maximumf %add3A_15, %max3A_16 : vector<256x2048xf32>
    %get3A_18 = arith.constant 0 : index
    %get3A_19 = arith.constant 0 : index
    %get3A_20 = arith.constant 0 : index
    %get3A_21 = vector.load %arg8[%get3A_18, %get3A_19, %get3A_20] : memref<1x2048x768xf32, #tpu.memory_space<vmem>>, vector<1x2048x768xf32>
    %get3A_22 = vector.shape_cast %get3A_21 : vector<1x2048x768xf32> to vector<2048x768xf32>
    %dot_general3A_23 = arith.constant dense<0.000000e+00> : vector<256x768xf32>
    %dot_general3A_24 = tpu.matmul %max3A_17, %get3A_22, %dot_general3A_23 {dimension_numbers = #tpu.dot_dimension_numbers<[1], [0], [0], [1], [0, 0, 1, 1], [], []>, transpose_lhs_hint = false} : vector<256x2048xf32>, vector<2048x768xf32>, vector<256x768xf32> -> vector<256x768xf32>
    %get3A_25 = arith.constant 0 : index
    %get3A_26 = arith.constant 0 : index
    %get3A_27 = arith.constant 0 : index
    %get3A_28 = vector.load %arg9[%get3A_25, %get3A_26, %get3A_27] : memref<1x1x768xf32, #tpu.memory_space<vmem>>, vector<1x1x768xf32>
    %get3A_29 = vector.shape_cast %get3A_28 : vector<1x1x768xf32> to vector<1x768xf32>
    %add3A_30 = vector.broadcast %get3A_29 : vector<1x768xf32> to vector<256x768xf32>
    %add3A_31 = arith.addf %dot_general3A_24, %add3A_30 : vector<256x768xf32>
    %get3A_32 = arith.constant 0 : index
    %get3A_33 = arith.constant 0 : index
    %get3A_34 = vector.load %arg10[%get3A_32, %get3A_33] : memref<256x128xf32, #tpu.memory_space<vmem>>, vector<256x128xf32>
    %slice3A = vector.extract_strided_slice %get3A_34 {offsets = [0, 0], sizes = [256, 1], strides = [1, 1]} : vector<256x128xf32> to vector<256x1xf32>
    %mul3A = vector.broadcast %slice3A : vector<256x1xf32> to vector<256x768xf32>
    %mul3A_35 = arith.mulf %add3A_31, %mul3A : vector<256x768xf32>
    %mul3A_36 = arith.constant 256 : i32
    %mul3A_37 = arith.muli %get3A_0, %mul3A_36 : i32
    %iota3A = tpu.iota {dimensions = array<i32: 0>} : vector<256x1xi32>
    %add3A_38 = vector.broadcast %mul3A_37 : i32 to vector<256x1xi32>
    %add3A_39 = arith.addi %add3A_38, %iota3A : vector<256x1xi32>
    %get3A_40 = arith.index_cast %arg0 : i32 to index
    %get3A_41 = memref.load %arg3[%get3A_40] : memref<15xi32, #tpu.memory_space<smem>>
    %ge3A = vector.broadcast %get3A_41 : i32 to vector<256x1xi32>
    %ge3A_42 = arith.cmpi sge, %add3A_39, %ge3A : vector<256x1xi32>
    %get3A_43 = arith.index_cast %arg0 : i32 to index
    %get3A_44 = memref.load %arg4[%get3A_43] : memref<15xi32, #tpu.memory_space<smem>>
    %lt3A = vector.broadcast %get3A_44 : i32 to vector<256x1xi32>
    %lt3A_45 = arith.cmpi slt, %add3A_39, %lt3A : vector<256x1xi32>
    %and3A = arith.andi %ge3A_42, %lt3A_45 : vector<256x1xi1>
    %jit3A = arith.constant 0.000000e+00 : f32
    %broadcast_in_dim3A = vector.shape_cast %and3A : vector<256x1xi1> to vector<256x1xi1>
    %broadcast_in_dim3A_46 = vector.broadcast %broadcast_in_dim3A : vector<256x1xi1> to vector<256x768xi1>
    %broadcast_in_dim3A_47 = vector.broadcast %jit3A : f32 to vector<256x768xf32>
    %select_n3A = arith.select %broadcast_in_dim3A_46, %mul3A_35, %broadcast_in_dim3A_47 : vector<256x768xi1>, vector<256x768xf32>
    %eq3A = arith.constant 0 : i32
    %eq3A_48 = arith.cmpi eq, %arg0, %eq3A : i32
    %convert_element_type3A = arith.extui %eq3A_48 : i1 to i32
    %cond3A = arith.constant 0 : i32
    %cond3A_49 = arith.cmpi ne, %convert_element_type3A, %cond3A : i32
    scf.if %cond3A_49 {
      %broadcast_in_dim3A_63 = arith.constant 0.000000e+00 : f32
      %broadcast_in_dim3A_64 = vector.broadcast %broadcast_in_dim3A_63 : f32 to vector<2048x1x768xf32>
      %swap3A_65 = arith.constant 0 : index
      %swap3A_66 = arith.constant 0 : index
      %swap3A_67 = arith.constant 0 : index
      %swap3A_68 = vector.load %arg11[%swap3A_65, %swap3A_66, %swap3A_67] : memref<2048x1x768xf32, #tpu.memory_space<vmem>>, vector<2048x1x768xf32>
      tpu.vector_store %arg11[%swap3A_65, %swap3A_66, %swap3A_67], %broadcast_in_dim3A_64 {strides = array<i32>} : memref<2048x1x768xf32, #tpu.memory_space<vmem>>, vector<2048x1x768xf32>,
    } else {
    }
    %mul3A_50 = arith.constant 256 : i32
    %mul3A_51 = arith.muli %get3A_0, %mul3A_50 : i32
    %get3A_52 = arith.index_cast %mul3A_51 : i32 to index
    %get3A_53 = arith.constant 0 : index
    %get3A_54 = arith.constant 0 : index
    %get3A_55 = vector.load %arg11[%get3A_52, %get3A_53, %get3A_54] : memref<2048x1x768xf32, #tpu.memory_space<vmem>>, vector<256x1x768xf32>
    %get3A_56 = vector.shape_cast %get3A_55 : vector<256x1x768xf32> to vector<256x768xf32>
    %add3A_57 = arith.addf %get3A_56, %select_n3A : vector<256x768xf32>
    %swap3A = arith.index_cast %mul3A_51 : i32 to index
    %swap3A_58 = arith.constant 0 : index
    %swap3A_59 = arith.constant 0 : index
    %swap3A_60 = vector.load %arg11[%swap3A, %swap3A_58, %swap3A_59] : memref<2048x1x768xf32, #tpu.memory_space<vmem>>, vector<256x1x768xf32>
    %swap3A_61 = vector.shape_cast %swap3A_60 : vector<256x1x768xf32> to vector<256x768xf32>
    %swap3A_62 = vector.shape_cast %add3A_57 : vector<256x768xf32> to vector<256x1x768xf32>
    tpu.vector_store %arg11[%swap3A, %swap3A_58, %swap3A_59], %swap3A_62 {strides = array<i32>} : memref<2048x1x768xf32, #tpu.memory_space<vmem>>, vector<256x1x768xf32>,
    return
  }
  func.func @transform_0(%arg0: i32, %arg1: memref<15xi32, #tpu.memory_space<smem>>, %arg2: memref<15xi32, #tpu.memory_space<smem>>, %arg3: memref<15xi32, #tpu.memory_space<smem>>, %arg4: memref<15xi32, #tpu.memory_space<smem>>) -> (i32, i32) {
    %get3A = arith.index_cast %arg0 : i32 to index
    %get3A_0 = memref.load %arg1[%get3A] : memref<15xi32, #tpu.memory_space<smem>>
    %c0_i32 = arith.constant 0 : i32
    %c0_i32_1 = arith.constant 0 : i32
    return %get3A_0, %c0_i32 : i32, i32
  }
  func.func @transform_1(%arg0: i32, %arg1: memref<15xi32, #tpu.memory_space<smem>>, %arg2: memref<15xi32, #tpu.memory_space<smem>>, %arg3: memref<15xi32, #tpu.memory_space<smem>>, %arg4: memref<15xi32, #tpu.memory_space<smem>>) -> (i32, i32, i32) {
    %get3A = arith.index_cast %arg0 : i32 to index
    %get3A_0 = memref.load %arg2[%get3A] : memref<15xi32, #tpu.memory_space<smem>>
    %c0_i32 = arith.constant 0 : i32
    %c0_i32_1 = arith.constant 0 : i32
    %c0_i32_2 = arith.constant 0 : i32
    return %get3A_0, %c0_i32, %c0_i32_1 : i32, i32, i32
  }
  func.func @transform_2(%arg0: i32, %arg1: memref<15xi32, #tpu.memory_space<smem>>, %arg2: memref<15xi32, #tpu.memory_space<smem>>, %arg3: memref<15xi32, #tpu.memory_space<smem>>, %arg4: memref<15xi32, #tpu.memory_space<smem>>) -> (i32, i32, i32) {
    %get3A = arith.index_cast %arg0 : i32 to index
    %get3A_0 = memref.load %arg2[%get3A] : memref<15xi32, #tpu.memory_space<smem>>
    %c0_i32 = arith.constant 0 : i32
    %c0_i32_1 = arith.constant 0 : i32
    %c0_i32_2 = arith.constant 0 : i32
    return %get3A_0, %c0_i32, %c0_i32_1 : i32, i32, i32
  }
  func.func @transform_3(%arg0: i32, %arg1: memref<15xi32, #tpu.memory_space<smem>>, %arg2: memref<15xi32, #tpu.memory_space<smem>>, %arg3: memref<15xi32, #tpu.memory_space<smem>>, %arg4: memref<15xi32, #tpu.memory_space<smem>>) -> (i32, i32, i32) {
    %get3A = arith.index_cast %arg0 : i32 to index
    %get3A_0 = memref.load %arg2[%get3A] : memref<15xi32, #tpu.memory_space<smem>>
    %c0_i32 = arith.constant 0 : i32
    %c0_i32_1 = arith.constant 0 : i32
    %c0_i32_2 = arith.constant 0 : i32
    return %get3A_0, %c0_i32, %c0_i32_1 : i32, i32, i32
  }
  func.func @transform_4(%arg0: i32, %arg1: memref<15xi32, #tpu.memory_space<smem>>, %arg2: memref<15xi32, #tpu.memory_space<smem>>, %arg3: memref<15xi32, #tpu.memory_space<smem>>, %arg4: memref<15xi32, #tpu.memory_space<smem>>) -> (i32, i32, i32) {
    %get3A = arith.index_cast %arg0 : i32 to index
    %get3A_0 = memref.load %arg2[%get3A] : memref<15xi32, #tpu.memory_space<smem>>
    %c0_i32 = arith.constant 0 : i32
    %c0_i32_1 = arith.constant 0 : i32
    %c0_i32_2 = arith.constant 0 : i32
    return %get3A_0, %c0_i32, %c0_i32_1 : i32, i32, i32
  }
  func.func @transform_5(%arg0: i32, %arg1: memref<15xi32, #tpu.memory_space<smem>>, %arg2: memref<15xi32, #tpu.memory_space<smem>>, %arg3: memref<15xi32, #tpu.memory_space<smem>>, %arg4: memref<15xi32, #tpu.memory_space<smem>>) -> (i32, i32) {
    %get3A = arith.index_cast %arg0 : i32 to index
    %get3A_0 = memref.load %arg1[%get3A] : memref<15xi32, #tpu.memory_space<smem>>
    %c0_i32 = arith.constant 0 : i32
    %c0_i32_1 = arith.constant 0 : i32
    return %get3A_0, %c0_i32 : i32, i32
  }
  func.func @transform_6(%arg0: i32, %arg1: memref<15xi32, #tpu.memory_space<smem>>, %arg2: memref<15xi32, #tpu.memory_space<smem>>, %arg3: memref<15xi32, #tpu.memory_space<smem>>, %arg4: memref<15xi32, #tpu.memory_space<smem>>) -> (i32, i32, i32) {
    %c0_i32 = arith.constant 0 : i32
    %c0_i32_0 = arith.constant 0 : i32
    %c0_i32_1 = arith.constant 0 : i32
    %c0_i32_2 = arith.constant 0 : i32
    return %c0_i32, %c0_i32_0, %c0_i32_1 : i32, i32, i32
  }
}

</mosaic_0001>

<sc_bundles>
// kernel: kernel.6.cloned.1.call-start
scs
__scs_entry_jumppad:
0x0: {  	(pc) =	sbr.rel $0x88, $3  }
0x1: {  	(tag) =	ssettag $0x0;
	lr =	simm.s32 $0x1  }
0x2: {  	[smem:$0x3F9A] =	sst lr;
	_ =	strace $0xD0000000  }
0x3: {  	_ = 	snop  }
0x4: {  	_ = 	snop  }
0x5: {  	_ = 	snop  }
0x6: {  	_ = 	snop  }
0x7: {  	_ = 	snop  }
__scs_overlays_trampoline_lowered:
0x8: {  	[smem:$0x3FA9] =	sst s0  }
0x9: {  	[smem:$0x3FAA] =	sst s1  }
0xa: {  	[smem:$0x3FAB] =	sst s2  }
0xb: {  	[smem:$0x3FAC] =	sst s3  }
0xc: {  	[smem:$0x3FAD] =	sst s4  }
0xd: {  	[smem:$0x3FAE] =	sst s5  }
0xe: {  	[smem:$0x3FAF] =	sst s6  }
0xf: {  	[smem:$0x3FB0] =	sst s7  }
0x10: {  	[smem:$0x3FB1] =	sst s8  }
0x11: {  	[smem:$0x3FB2] =	sst s9;
	s0 =	simm.s32 @!p0 $0x0  }
0x12: {  	s1 =	sld [smem:$0x3F98];
	s0 =	simm.s32 @p0 $0x1  }
0x13: {  	[smem:$0x3FB3] =	sst s0;
	s0 =	simm.s32 @!p1 $0x0  }
0x14: {  	s2 =	sld [smem:$0x3F97];
	s0 =	simm.s32 @p1 $0x1  }
0x15: {  	[smem:$0x3FB4] =	sst s0;
	s0 =	simm.s32 @!p2 $0x0  }
0x16: {  	s3 =	sld [smem:$0x3FDB];
	s0 =	simm.s32 @p2 $0x1  }
0x17: {  	s4 =	simm.s32 $0x1BF5;
	[smem:$0x3FB6] =	sst s0  }
0x18: {  	s0 =	sld [smem:$0x3F99];
	_ =	swait.ge [sflag:s4], $0x0  }
0x19: {  	s7 =	sld [smem:$0x3F9A]  }
0x1a: {  	s8 =	sadd.s32 $0xFFFFE003, lr  }
0x1b: {  	s9 =	sadd.s32 $0xFFFFFEF7, lr;
	s5 =	simm.s32 $0xFFFFFFFF;
	p2 =	slt.u32 s8, $0xFFFFF086  }
0x1c: {  	p1 =	slt.u32 s9, $0xF7A;
	s5 =	simm.s32 @!p2 $0x0  }
0x1d: {  	s5 =	simm.s32 @p1 $0x1;
	p0 =	seq.s32 s7, s2  }
0x1e: {  	s7 =	smul.u32 @!p0 $0xF7A, s2;
	p2 =	seq.s32 @!p0 s5, $0x0  }
0x1f: {  	s9 =	smul.u32 $0xF7A, s1;
	s8 =	simm.s32 @!p0 $0x1BF5;
	p2 =	por !p2, p0  }
0x20: {  	[sflag:s8] =	ssyncset.s32 @!p0 $0xFFFFF086;
	s6 =	sadd.s32 @!p0 s3, s7;
	s7 =	simm.s32 @!p0 $0x108  }
0x21: {  	s3 =	sadd.s32 s3, s9;
	s6 =	sadd.s32 @!p0 $0x88, s6;
	s7 =	simm.s32 @p2 $0x1082  }
0x22: {  	[simem:s7], [sflag:s8] =	dma.local @!p0 [hbm:s6], $0xF7A  }
0x23: {  	s9 =	sor.u32 $0xD0000000, s2;
	s6 =	simm.s32 $0x108;
	_ =	swait.ge @!p0 [sflag:s8], $0x0  }
0x24: {  	s3 =	sadd.s32 $0x88, s3;
	s6 =	simm.s32 @!p1 $0x1082;
	[sflag:s4] =	ssyncset.s32 $0xFFFFF086  }
0x25: {  	[simem:s6], [sflag:s4] =	dma.local [hbm:s3], $0xF7A  }
0x26: {  	[smem:$0x3F9A] =	sst s1;
	(tag) =	ssettag s2;
	_ =	strace s9  }
0x27: {  	s1 =	sld [smem:$0x3FAA]  }
0x28: {  	s2 =	sld [smem:$0x3FAB]  }
0x29: {  	s4 =	sld [smem:$0x3FAD]  }
0x2a: {  	p0 =	seq.s32 s5, $0x0;
	s5 =	sld [smem:$0x3FAE]  }
0x2b: {  	s6 =	sld [smem:$0x3FAF]  }
0x2c: {  	s7 =	sld [smem:$0x3FB0]  }
0x2d: {  	s3 =	simm.s32 $0x108;
	s8 =	sld [smem:$0x3FB1]  }
0x2e: {  	s3 =	simm.s32 @!p0 $0x1082;
	s9 =	sld [smem:$0x3FB2]  }
0x2f: {  	lr =	sadd.s32 s0, s3;
	s0 =	sld [smem:$0x3FA9]  }
0x30: {  	s3 =	sld [smem:$0x3FAC]  }
0x31: {  	[smem:$0x3FB5] =	sst s10  }
0x32: {  	s10 =	sld [smem:$0x3FB3];
	_ =	sdelay $0x3  }
0x33: {  	p0 =	seq.s32 s10, $0x1;
	s10 =	sld [smem:$0x3FB5];
	_ =	sdelay $0x3  }
0x34: {  	[smem:$0x3FB5] =	sst s10  }
0x35: {  	s10 =	sld [smem:$0x3FB4];
	_ =	sdelay $0x3  }
0x36: {  	p1 =	seq.s32 s10, $0x1;
	s10 =	sld [smem:$0x3FB5];
	_ =	sdelay $0x3  }
0x37: {  	[smem:$0x3FB5] =	sst s10  }
0x38: {  	s10 =	sld [smem:$0x3FB6]  }
0x39: {  	_ = 	snop;
	(pc) =	sbr.ind lr, $3  }
0x3a: {  	_ = 	snop  }
0x3b: {  	_ = 	snop  }
0x3c: {  	p2 =	seq.s32 s10, $0x1;
	s10 =	sld [smem:$0x3FB5]  }
0x3d: {  	_ =	shalt  }
0x3e: {  	_ =	shalt  }
0x3f: {  	_ =	shalt  }
0x40: {  	_ =	shalt  }
0x41: {  	_ =	shalt  }
0x42: {  	_ =	shalt  }
0x43: {  	_ =	shalt  }
0x44: {  	_ =	shalt  }
0x45: {  	_ =	shalt  }
0x46: {  	_ =	shalt  }
0x47: {  	_ =	shalt  }
0x48: {  	_ =	shalt  }
0x49: {  	_ =	shalt  }
0x4a: {  	_ =	shalt  }
0x4b: {  	_ =	shalt  }
0x4c: {  	_ =	shalt  }
0x4d: {  	_ =	shalt  }
0x4e: {  	_ =	shalt  }
0x4f: {  	_ =	shalt  }
0x50: {  	_ =	shalt  }
0x51: {  	_ =	shalt  }
0x52: {  	_ =	shalt  }
0x53: {  	_ =	shalt  }
0x54: {  	_ =	shalt  }
0x55: {  	_ =	shalt  }
0x56: {  	_ =	shalt  }
0x57: {  	_ =	shalt  }
0x58: {  	_ =	shalt  }
0x59: {  	_ =	shalt  }
0x5a: {  	_ =	shalt  }
0x5b: {  	_ =	shalt  }
0x5c: {  	_ =	shalt  }
0x5d: {  	_ =	shalt  }
0x5e: {  	_ =	shalt  }
0x5f: {  	_ =	shalt  }
0x60: {  	_ =	shalt  }
0x61: {  	_ =	shalt  }
0x62: {  	_ =	shalt  }
0x63: {  	_ =	shalt  }
0x64: {  	_ =	shalt  }
0x65: {  	_ =	shalt  }
0x66: {  	_ =	shalt  }
0x67: {  	_ =	shalt  }
0x68: {  	_ =	shalt  }
0x69: {  	_ =	shalt  }
0x6a: {  	_ =	shalt  }
0x6b: {  	_ =	shalt  }
0x6c: {  	_ =	shalt  }
0x6d: {  	_ =	shalt  }
0x6e: {  	_ =	shalt  }
0x6f: {  	_ =	shalt  }
0x70: {  	_ =	shalt  }
0x71: {  	_ =	shalt  }
0x72: {  	_ =	shalt  }
0x73: {  	_ =	shalt  }
0x74: {  	_ =	shalt  }
0x75: {  	_ =	shalt  }
0x76: {  	_ =	shalt  }
0x77: {  	_ =	shalt  }
0x78: {  	_ =	shalt  }
0x79: {  	_ =	shalt  }
0x7a: {  	_ =	shalt  }
0x7b: {  	_ =	shalt  }
0x7c: {  	_ =	shalt  }
0x7d: {  	_ =	shalt  }
0x7e: {  	_ =	shalt  }
0x7f: {  	_ =	shalt  }
0x80: {  	_ =	shalt  }
0x81: {  	_ =	shalt  }
0x82: {  	_ =	shalt  }
0x83: {  	_ =	shalt  }
0x84: {  	_ =	shalt  }
0x85: {  	_ =	shalt  }
0x86: {  	_ =	shalt  }
0x87: {  	_ =	shalt  }
.Lfunc_end0:
.L_simem_size_0:
called_computation_lowered:
.L_overlay_start_0:
0x88: {  	s2 =	sld [smem:$0x3FD9]  }
0x89: {  	s3 =	sld [smem:$0x3FFE];
	_ =	sdelay $0x1  }
0x8a: {  	s1 =	srdreg.scid  }
0x8b: {  	s0 =	sand.u32 $0x1, s1  }
0x8c: {  	s14 =	sshll.u32 s0, $0xA;
	s2 =	sadd.s32 s3, s2  }
0x8d: {  	s2 =	sadd.s32 s2, s14  }
0x8e: {  	[smem:$0x3FC1] =	sst s2  }
0x8f: {  	_ = 	snop  }
0x90: {  	s2 =	sld [smem:$0x3FD0];
	_ =	sdelay $0x2  }
0x91: {  	s15 =	simm.s32 $0xA;
	s4 =	simm.s32 $0x10  }
0x92: {  	[smem:s4], [sflag:s15] =	dma.local [hbm:s2], $0x1  }
0x93: {  	_ =	swait.eq [sflag:s15], $0x1  }
0x94: {  	[sflag:s15] =	ssyncset.done $0x0  }
0x95: {  	[sflag:s15] =	ssyncadd.s32 $0xFFFFFFFF  }
0x96: {  	s16 =	sld [smem:$0x10];
	(tm) =	ssettm $0x1  }
0x97: {  	s17 =	sld [smem:$0x3FFB];
	_ =	sdelay $0x3  }
0x98: {  	_ =	strace s17  }
0x99: {  	s3 =	sld [smem:$0x3FFC];
	_ =	sdelay $0x3  }
0x9a: {  	_ =	strace s3  }
0x9b: {  	s3 =	sld [smem:$0x3FFD];
	_ =	sdelay $0x3  }
0x9c: {  	_ =	strace s3  }
0x9d: {  	_ =	strace $0x8FFFFFFF  }
0x9e: {  	s18 =	sld [smem:$0x3FDB];
	_ =	sdelay $0x1  }
0x9f: {  	s19 =	simm.s32 $_scs_section_size  }
0xa0: {  	s5 =	simm.s32 $_size__tile_overlayer_lowered;
	s6 =	simm.s32 $_tile_overlayer_lowered  }
0xa1: {  	s22 =	simm.s32 $0x1BFF;
	s21 =	sshll.u32 s6, $0x1;
	s3 =	sadd.s32 s19, s18  }
0xa2: {  	s7 =	simm.s32 $0x0;
	s20 =	sshll.u32 s5, $0x1;
	s5 =	sadd.s32 s21, s3  }
0xa3: {  	[timem:s7], [sflag:s22] =	dma.local [hbm:s5], s20  }
0xa4: {  	_ =	swait.ge [sflag:s22], s20  }
0xa5: {  	s4 =	ssub.s32 $0x0, s20;
	[sflag:s22] =	ssyncset.done $0x0  }
0xa6: {  	[sflag:s22] =	ssyncadd.s32 s4;
	_ =	sdelay $0x1  }
0xa7: {  	s23 =	simm.s32 $0x1B8B  }
0xa8: {  	_ =	swait.ge [sflag:s23], $0x1  }
0xa9: {  	[sflag:s23] =	ssyncset.done $0x0  }
0xaa: {  	s25 =	simm.s32 $0x1B8E;
	s24 =	sld [smem:$0x3FFE];
	[sflag:s23] =	ssyncadd.s32 $0xFFFFFFFF  }
0xab: {  	s26 =	simm.s32 $execute0_lowered;
	[smem:$0x3FD2] =	sst s25  }
0xac: {  	s5 =	sshll.u32 s26, $0x1;
	_ =	strace $0x80000046;
	[dreg:$0x1] =	wrdreg $0xFFFFFFFF  }
0xad: {  	s28 =	simm.s32 $_size_execute0_lowered;
	s3 =	sadd.s32 s3, s5;
	[dreg:$0x0] =	wrdreg $0x0  }
0xae: {  	s5 =	sshll.u32 s28, $0x1;
	[dreg:$0x2] =	wrdreg s3  }
0xaf: {  	[dreg:$0x3] =	wrdreg s5  }
0xb0: {  	[dreg:$0x4] =	wrdreg $0xC0  }
0xb1: {  	_ =	task [dreg:s7], $0x5FFFF  }
0xb2: {  	[dreg:$0x1] =	wrdreg $0xFFFFFFFF  }
0xb3: {  	[dreg:$0x0] =	wrdreg $0x60  }
0xb4: {  	[dreg:$0x2] =	wrdreg s16  }
0xb5: {  	[dreg:$0x3] =	wrdreg s24  }
0xb6: {  	[dreg:$0x4] =	wrdreg $0x9  }
0xb7: {  	_ =	task.clear_ibuf [dreg:s7], $0x5FFFF;
	_ =	strace $0x90000046  }
0xb8: {  	s29 =	simm.s32 $0x9;
	_ =	strace $0x80000048  }
0xb9: {  	_ =	swait.ge [sflag:s29], $0x1  }
0xba: {  	[sflag:s29] =	ssyncadd.s32 $0xFFFFFFFF  }
0xbb: {  	_ =	strace $0x90000048  }
0xbc: {  	_ =	sfence  }
0xbd: {  	s30 =	sld [smem:$0x0];
	_ =	sdelay $0x2  }
0xbe: {  	s31 =	sshll.u32 s1, $0xD;
	s1 =	sshrl.u32 s1, $0x2  }
0xbf: {  	s3 =	sand.u32 $0x4000, s31;
	s1 =	sadd.s32 s1, s30  }
0xc0: {  	s0 =	sor.u32 s3, s0;
	s1 =	sshll.u32 s1, $0x11  }
0xc1: {  	s0 =	sor.u32 s1, s0  }
0xc2: {  	s0 =	sadd.s32 $0x8F2B, s0  }
0xc3: {  	[sflag:s0] =	ssyncadd.remote.s32 $0x1  }
0xc4: {  	_ =	sfence.sel $0xFFFF  }
0xc5: {  	[dreg:$0x0] =	wrdreg $0xFFFFFFFF;
	(pc) =	sbr.abs _section_cstart, $3  }
0xc6: {  	[dreg:$0x1] =	wrdreg $0xFFFFFFFF  }
0xc7: {  	_ =	task.clear_ibuf [dreg:s7], $0x2FFFF;
	_ =	strace $0x9FFFFFFF  }
0xc8: {  	(tm) =	ssettm $0x7FFFFFFF  }
0xc9: {  	_ =	shalt  }
tec
execute0_lowered:
.L_overlay_start_1:
0x0: {  	(tag) =	ssettag $0x1  }
0x1: {  	s0 =	rddreg [dreg:$0x0]  }
0x2: {  	s5 =	rddreg [dreg:$0x1]  }
0x3: {  	s2 =	srdreg.scid;
	s1 =	stileid.u32;
	s23 =	simm.s32 $0x880  }
0x4: {  	s24 =	simm.s32 $0x1080;
	s25 =	simm.s32 $0x1880;
	s26 =	simm.s32 $0x2080  }
0x5: {  	s9 =	simm.s32 $0xC080;
	s11 =	simm.s32 $0x3080;
	s12 =	simm.s32 $0x3880  }
0x6: {  	s13 =	simm.s32 $0x4080;
	s14 =	simm.s32 $0x4880;
	s15 =	simm.s32 $0x5080  }
0x7: {  	s16 =	simm.s32 $0x5880;
	s28 =	simm.s32 $0xB080;
	s29 =	simm.s32 $0xB880  }
0x8: {  	s30 =	simm.s32 $0x40;
	s3 =	sand.u32 $0x1, s2;
	s2 =	simm.s32 $0x0  }
0x9: {  	s31 =	simm.s32 $0x1;
	s8 =	sadd.s32 $0x38200, s5;
	[smem:$0x7FF] =	sst s2  }
0xa: {  	s4 =	sshll.u32 s1, $0x7;
	_ =	strace $0x80000047;
	[dreg:$0x3] =	wrdreg s8  }
0xb: {  	s6 =	sshll.u32 s3, $0x6;
	s17 =	ssub.s32 $0x2, s3;
	[dreg:$0x7] =	wrdreg s23  }
0xc: {  	s3 =	sadd.s32 $0x8200, s5;
	s4 =	sor.u32 s6, s4;
	[dreg:$0x8] =	wrdreg s24  }
0xd: {  	s20 =	sshrl.u32 s17, $0x1;
	s8 =	simm.s32 $0x80;
	[dreg:$0x9] =	wrdreg s25  }
0xe: {  	[dreg:$0xa] =	wrdreg s26;
	s23 =	simm.s32 $0x9080;
	s24 =	simm.s32 $0x9880  }
0xf: {  	s25 =	simm.s32 $0xA080;
	s26 =	simm.s32 $0xA880;
	s6 =	sshrl.u32 s4, $0x3  }
0x10: {  	s19 =	sshll.u32 s4, $0x4;
	s22 =	ssub.s32 s17, s20;
	s4 =	sadd.s32 $0x8300, s5  }
0x11: {  	s17 =	simm.s32 $0x6080;
	s20 =	simm.s32 $0x7880;
	s7 =	sadd.s32 s6, s5  }
0x12: {  	s6 =	smul.u32 $0x300, s6;
	s21 =	sadd.s32 s5, s19;
	s5 =	sadd.s32 $0x8400, s5  }
0x13: {  	s19 =	simm.s32 $0x7080;
	s18 =	sadd.s32 $0x8000, s7;
	[dreg:$0x6] =	wrdreg s21  }
0x14: {  	v2 =	vlaneseq.u32;
	s7 =	simm.s32 $0x3;
	s21 =	simm.s32 $0x8080;
	[dreg:$0x4] =	wrdreg s18  }
0x15: {  	vm0 =	vmmov $0xffff;
	v1 =	vshrl.u32 v2, $0x3;
	s0 =	sadd.s32 s0, s6;
	s6 =	smax.u32 s22, $0x1;
	s18 =	simm.s32 $0x6880  }
0x16: {  	v0 =	vand.u32 $0x7, v2;
	v2 =	vor.u32 $0x8, v2;
	v1 =	vmul.u32 $0x8, v1;
	s22 =	simm.s32 $0x8880;
	[dreg:$0x5] =	wrdreg s0;
	s0 =	simm.s32 $0x2  }
.LBB2_1:
0x17: {  	s1 =	rddreg [dreg:$0x4]  }
0x18: {  	[tilespmem:s2], [sflag:$0x3] =	stream.linear.gather [hbm4b:s1+s2], $0x40, $0x38;
	[tilespmem:$0xE080] =	vst v63  }
0x19: {  	_ =	swait.ge [sflag:s7], $0x40  }
0x1a: {  	[sflag:s7] =	ssyncset.done $0x0  }
0x1b: {  	s10 =	rddreg [dreg:$0x5];
	[sflag:s7] =	ssyncadd.s32 $0xFFFFFFC0  }
0x1c: {  	[tilespmem:s8], [sflag:$0x3] =	stream.linear.gather [hbm4b:s10+s2], $0xC000, $0x38;
	[tilespmem:$0xE080] =	vst v63  }
0x1d: {  	_ =	swait.ge [sflag:s7], $0xC000  }
0x1e: {  	[sflag:s7] =	ssyncset.done $0x0  }
0x1f: {  	s10 =	rddreg [dreg:$0x6];
	[sflag:s7] =	ssyncadd.s32 $0xFFFF4000  }
0x20: {  	[tilespmem:s9], [sflag:$0x3] =	stream.linear.gather [hbm4b:s10+s2], $0x2000, $0x38;
	[tilespmem:$0xE080] =	vst v63  }
0x21: {  	_ =	swait.ge [sflag:s7], $0x2000  }
0x22: {  	[sflag:s7] =	ssyncset.done $0x0  }
0x23: {  	[sflag:s7] =	ssyncadd.s32 $0xFFFFE000  }
0x24: {  	v3 =	vld [tilespmem:$0x0];
	_ =	sdelay $0x4  }
0x25: {  	v4 =	vshrl.u32 v3, $0x3  }
0x26: {  	v4 =	vmul.u32 $0x30, v4  }
0x27: {  	v3 =	vand.u32 $0x7, v3  }
0x28: {  	v3 =	vor.u32 v3, v4  }
0x29: {  	v4 =	vperm.xlane v3, v0;
	_ =	sdelay $0x1  }
0x2a: {  	v4 =	vadd.s32 v1, v4;
	_ =	sdelay $0x3  }
0x2b: {  	v3 =	vperm.xlane v3, v2  }
0x2c: {  	[hbm4b:s3+s2] =	stream.indirect_vreg.scatter [tilespmem:s8], [sflag:$0x1], $0x80, v4, vm0, $0xb8;
	[tilespmem:$0xE080] =	vst v63  }
0x2d: {  	s1 =	rddreg [dreg:$0x7];
	v3 =	vadd.s32 v1, v3  }
0x2e: {  	[hbm4b:s4+s2] =	stream.indirect_vreg.scatter [tilespmem:s1], [sflag:$0x1], $0x80, v4, vm0, $0xb8;
	[tilespmem:$0xE080] =	vst v63  }
0x2f: {  	s10 =	rddreg [dreg:$0x8]  }
0x30: {  	[hbm4b:s5+s2] =	stream.indirect_vreg.scatter [tilespmem:s10], [sflag:$0x1], $0x80, v4, vm0, $0xb8;
	[tilespmem:$0xE080] =	vst v63  }
0x31: {  	s1 =	rddreg [dreg:$0x9]  }
0x32: {  	[hbm4b:s3+s2] =	stream.indirect_vreg.scatter [tilespmem:s1], [sflag:$0x1], $0x80, v3, vm0, $0xb8;
	[tilespmem:$0xE080] =	vst v63  }
0x33: {  	s10 =	rddreg [dreg:$0xa]  }
0x34: {  	[hbm4b:s4+s2] =	stream.indirect_vreg.scatter [tilespmem:s10], [sflag:$0x1], $0x80, v3, vm0, $0xb8;
	[tilespmem:$0xE080] =	vst v63  }
0x35: {  	s10 =	simm.s32 $0x2880  }
0x36: {  	[hbm4b:s5+s2] =	stream.indirect_vreg.scatter [tilespmem:s10], [sflag:$0x1], $0x80, v3, vm0, $0xb8;
	[tilespmem:$0xE080] =	vst v63  }
0x37: {  	v3 =	vld [tilespmem:$0x10];
	_ =	sdelay $0x4  }
0x38: {  	v61 =	vshrl.u32 v3, $0x3  }
0x39: {  	v4 =	vmul.u32 $0x30, v61  }
0x3a: {  	v3 =	vand.u32 $0x7, v3  }
0x3b: {  	v3 =	vor.u32 v3, v4  }
0x3c: {  	v4 =	vperm.xlane v3, v0;
	_ =	sdelay $0x1  }
0x3d: {  	v4 =	vadd.s32 v1, v4;
	_ =	sdelay $0x3  }
0x3e: {  	v3 =	vperm.xlane v3, v2  }
0x3f: {  	[hbm4b:s3+s2] =	stream.indirect_vreg.scatter [tilespmem:s11], [sflag:$0x1], $0x80, v4, vm0, $0xb8;
	[tilespmem:$0xE080] =	vst v63  }
0x40: {  	v3 =	vadd.s32 v1, v3  }
0x41: {  	[hbm4b:s4+s2] =	stream.indirect_vreg.scatter [tilespmem:s12], [sflag:$0x1], $0x80, v4, vm0, $0xb8;
	[tilespmem:$0xE080] =	vst v63  }
0x42: {  	_ = 	snop  }
0x43: {  	[hbm4b:s5+s2] =	stream.indirect_vreg.scatter [tilespmem:s13], [sflag:$0x1], $0x80, v4, vm0, $0xb8;
	[tilespmem:$0xE080] =	vst v63  }
0x44: {  	_ = 	snop  }
0x45: {  	[hbm4b:s3+s2] =	stream.indirect_vreg.scatter [tilespmem:s14], [sflag:$0x1], $0x80, v3, vm0, $0xb8;
	[tilespmem:$0xE080] =	vst v63  }
0x46: {  	_ = 	snop  }
0x47: {  	[hbm4b:s4+s2] =	stream.indirect_vreg.scatter [tilespmem:s15], [sflag:$0x1], $0x80, v3, vm0, $0xb8;
	[tilespmem:$0xE080] =	vst v63  }
0x48: {  	_ = 	snop  }
0x49: {  	[hbm4b:s5+s2] =	stream.indirect_vreg.scatter [tilespmem:s16], [sflag:$0x1], $0x80, v3, vm0, $0xb8;
	[tilespmem:$0xE080] =	vst v63  }
0x4a: {  	v3 =	vld [tilespmem:$0x20];
	_ =	sdelay $0x4  }
0x4b: {  	v62 =	vshrl.u32 v3, $0x3  }
0x4c: {  	v4 =	vmul.u32 $0x30, v62  }
0x4d: {  	v3 =	vand.u32 $0x7, v3  }
0x4e: {  	v3 =	vor.u32 v3, v4  }
0x4f: {  	v4 =	vperm.xlane v3, v0;
	_ =	sdelay $0x1  }
0x50: {  	v4 =	vadd.s32 v1, v4;
	_ =	sdelay $0x3  }
0x51: {  	v3 =	vperm.xlane v3, v2  }
0x52: {  	[hbm4b:s3+s2] =	stream.indirect_vreg.scatter [tilespmem:s17], [sflag:$0x1], $0x80, v4, vm0, $0xb8;
	[tilespmem:$0xE080] =	vst v63  }
0x53: {  	v3 =	vadd.s32 v1, v3  }
0x54: {  	[hbm4b:s4+s2] =	stream.indirect_vreg.scatter [tilespmem:s18], [sflag:$0x1], $0x80, v4, vm0, $0xb8;
	[tilespmem:$0xE080] =	vst v63  }
0x55: {  	_ = 	snop  }
0x56: {  	[hbm4b:s5+s2] =	stream.indirect_vreg.scatter [tilespmem:s19], [sflag:$0x1], $0x80, v4, vm0, $0xb8;
	[tilespmem:$0xE080] =	vst v63  }
0x57: {  	_ = 	snop  }
0x58: {  	[hbm4b:s3+s2] =	stream.indirect_vreg.scatter [tilespmem:s20], [sflag:$0x1], $0x80, v3, vm0, $0xb8;
	[tilespmem:$0xE080] =	vst v63  }
0x59: {  	_ = 	snop  }
0x5a: {  	[hbm4b:s4+s2] =	stream.indirect_vreg.scatter [tilespmem:s21], [sflag:$0x1], $0x80, v3, vm0, $0xb8;
	[tilespmem:$0xE080] =	vst v63  }
0x5b: {  	_ = 	snop  }
0x5c: {  	[hbm4b:s5+s2] =	stream.indirect_vreg.scatter [tilespmem:s22], [sflag:$0x1], $0x80, v3, vm0, $0xb8;
	[tilespmem:$0xE080] =	vst v63  }
0x5d: {  	v3 =	vld [tilespmem:$0x30];
	_ =	sdelay $0x4  }
0x5e: {  	v63 =	vshrl.u32 v3, $0x3  }
0x5f: {  	v4 =	vmul.u32 $0x30, v63  }
0x60: {  	v3 =	vand.u32 $0x7, v3  }
0x61: {  	v3 =	vor.u32 v3, v4  }
0x62: {  	v4 =	vperm.xlane v3, v0;
	_ =	sdelay $0x1  }
0x63: {  	v4 =	vadd.s32 v1, v4;
	_ =	sdelay $0x3  }
0x64: {  	v3 =	vperm.xlane v3, v2  }
0x65: {  	[hbm4b:s3+s2] =	stream.indirect_vreg.scatter [tilespmem:s23], [sflag:$0x1], $0x80, v4, vm0, $0xb8;
	[tilespmem:$0xE080] =	vst v63  }
0x66: {  	v3 =	vadd.s32 v1, v3  }
0x67: {  	[hbm4b:s4+s2] =	stream.indirect_vreg.scatter [tilespmem:s24], [sflag:$0x1], $0x80, v4, vm0, $0xb8;
	[tilespmem:$0xE080] =	vst v63  }
0x68: {  	_ = 	snop  }
0x69: {  	[hbm4b:s5+s2] =	stream.indirect_vreg.scatter [tilespmem:s25], [sflag:$0x1], $0x80, v4, vm0, $0xb8;
	[tilespmem:$0xE080] =	vst v63  }
0x6a: {  	_ = 	snop  }
0x6b: {  	[hbm4b:s3+s2] =	stream.indirect_vreg.scatter [tilespmem:s26], [sflag:$0x1], $0x80, v3, vm0, $0xb8;
	[tilespmem:$0xE080] =	vst v63  }
0x6c: {  	_ = 	snop  }
0x6d: {  	[hbm4b:s4+s2] =	stream.indirect_vreg.scatter [tilespmem:s28], [sflag:$0x1], $0x80, v3, vm0, $0xb8;
	[tilespmem:$0xE080] =	vst v63  }
0x6e: {  	_ = 	snop  }
0x6f: {  	[hbm4b:s5+s2] =	stream.indirect_vreg.scatter [tilespmem:s29], [sflag:$0x1], $0x80, v3, vm0, $0xb8;
	[tilespmem:$0xE080] =	vst v63  }
0x70: {  	s10 =	rddreg [dreg:$0x3]  }
0x71: {  	[hbm4b:s10+s30] =	stream.indirect.scatter [tilespmem:s9], [sflag:$0x2], $0x80, s2, s30, $0xb8;
	[tilespmem:$0xE080] =	vst v63  }
0x72: {  	p0 =	sne.s32 s6, $0x1;
	_ =	swait.ge [sflag:s31], $0xC000  }
.Ltmp0:
0x73: {  	[sflag:s31] =	ssyncset.done $0x0;
	(pc) =	sbr.rel @p0 .LBB2_1-.Ltmp0, $4  }
0x74: {  	[sflag:s31] =	ssyncadd.s32 $0xFFFF4000  }
0x75: {  	_ =	swait.ge [sflag:s0], $0x2000  }
0x76: {  	[sflag:s0] =	ssyncset.done $0x0  }
0x77: {  	s6 =	sadd.s32 $0xFFFFFFFF, s6;
	[sflag:s0] =	ssyncadd.s32 $0xFFFFE000  }
0x78: {  	_ =	sfence.sel $0x180000  }
0x79: {  	[bflag:$0x0] =	sbarrier.arrive $0xFFFF  }
0x7a: {  	_ =	strace $0x90000047  }
0x7b: {  	s0 =	stileid.u32;
	[bflag:$0x2] =	sbarrier.arrive $0xFFFF  }
0x7c: {  	p0 =	sne.s32 s0, $0x0;
	s0 =	rddreg [dreg:$0x2]  }
0x7d: {  	s0 =	sadd.s32 @!p0 $0x100000, s0  }
0x7e: {  	[sflag:s0] =	ssyncadd.tile.s32 @!p0 $0x1;
	_ =	shalt  }
.Lfunc_end2:
_tile_overlayer_lowered:
.L_overlay_start_2:
0x7f: {  	(tag) =	ssettag $0x2  }
0x80: {  	s0 =	rddreg [dreg:$0x0];
	s2 =	stileid.u32  }
0x81: {  	s1 =	rddreg [dreg:$0x1];
	p0 =	sne.s32 s2, $0x0  }
0x82: {  	s3 =	rddreg [dreg:$0x2];
	[bflag:$0x3] =	sbarrier.arrive $0xFFFF;
	s2 =	simm.s32 @!p0 $0x1C03  }
0x83: {  	[timem:s3], [sflag:s2] =	dma.local @!p0 [hbm:s0], s1  }
0x84: {  	s0 =	simm.s32 @!p0 $0x3  }
0x85: {  	_ =	swait.ge @!p0 [sflag:s0], s1  }
0x86: {  	s1 =	ssub.s32 @!p0 $0x0, s1;
	[sflag:s0] =	ssyncset.done @!p0 $0x0  }
0x87: {  	[sflag:s0] =	ssyncadd.s32 @!p0 s1  }
0x88: {  	[bflag:$0x3] =	sbarrier.arrive $0xFFFF  }
0x89: {  	_ =	shalt  }

// kernel: kernel.9.cloned.1.call-start
scs
__scs_entry_jumppad:
0x0: {  	(pc) =	sbr.rel $0x88, $3  }
0x1: {  	(tag) =	ssettag $0x0;
	lr =	simm.s32 $0x1  }
0x2: {  	[smem:$0x3F9A] =	sst lr;
	_ =	strace $0xD0000000  }
0x3: {  	_ = 	snop  }
0x4: {  	_ = 	snop  }
0x5: {  	_ = 	snop  }
0x6: {  	_ = 	snop  }
0x7: {  	_ = 	snop  }
__scs_overlays_trampoline_lowered:
0x8: {  	[smem:$0x3FA9] =	sst s0  }
0x9: {  	[smem:$0x3FAA] =	sst s1  }
0xa: {  	[smem:$0x3FAB] =	sst s2  }
0xb: {  	[smem:$0x3FAC] =	sst s3  }
0xc: {  	[smem:$0x3FAD] =	sst s4  }
0xd: {  	[smem:$0x3FAE] =	sst s5  }
0xe: {  	[smem:$0x3FAF] =	sst s6  }
0xf: {  	[smem:$0x3FB0] =	sst s7  }
0x10: {  	[smem:$0x3FB1] =	sst s8  }
0x11: {  	[smem:$0x3FB2] =	sst s9;
	s0 =	simm.s32 @!p0 $0x0  }
0x12: {  	s1 =	sld [smem:$0x3F98];
	s0 =	simm.s32 @p0 $0x1  }
0x13: {  	[smem:$0x3FB3] =	sst s0;
	s0 =	simm.s32 @!p1 $0x0  }
0x14: {  	s2 =	sld [smem:$0x3F97];
	s0 =	simm.s32 @p1 $0x1  }
0x15: {  	[smem:$0x3FB4] =	sst s0;
	s0 =	simm.s32 @!p2 $0x0  }
0x16: {  	s3 =	sld [smem:$0x3FDB];
	s0 =	simm.s32 @p2 $0x1  }
0x17: {  	s4 =	simm.s32 $0x1BF5;
	[smem:$0x3FB6] =	sst s0  }
0x18: {  	s0 =	sld [smem:$0x3F99];
	_ =	swait.ge [sflag:s4], $0x0  }
0x19: {  	s7 =	sld [smem:$0x3F9A]  }
0x1a: {  	s8 =	sadd.s32 $0xFFFFE003, lr  }
0x1b: {  	s9 =	sadd.s32 $0xFFFFFEF7, lr;
	s5 =	simm.s32 $0xFFFFFFFF;
	p2 =	slt.u32 s8, $0xFFFFF086  }
0x1c: {  	p1 =	slt.u32 s9, $0xF7A;
	s5 =	simm.s32 @!p2 $0x0  }
0x1d: {  	s5 =	simm.s32 @p1 $0x1;
	p0 =	seq.s32 s7, s2  }
0x1e: {  	s7 =	smul.u32 @!p0 $0xF7A, s2;
	p2 =	seq.s32 @!p0 s5, $0x0  }
0x1f: {  	s9 =	smul.u32 $0xF7A, s1;
	s8 =	simm.s32 @!p0 $0x1BF5;
	p2 =	por !p2, p0  }
0x20: {  	[sflag:s8] =	ssyncset.s32 @!p0 $0xFFFFF086;
	s6 =	sadd.s32 @!p0 s3, s7;
	s7 =	simm.s32 @!p0 $0x108  }
0x21: {  	s3 =	sadd.s32 s3, s9;
	s6 =	sadd.s32 @!p0 $0x88, s6;
	s7 =	simm.s32 @p2 $0x1082  }
0x22: {  	[simem:s7], [sflag:s8] =	dma.local @!p0 [hbm:s6], $0xF7A  }
0x23: {  	s9 =	sor.u32 $0xD0000000, s2;
	s6 =	simm.s32 $0x108;
	_ =	swait.ge @!p0 [sflag:s8], $0x0  }
0x24: {  	s3 =	sadd.s32 $0x88, s3;
	s6 =	simm.s32 @!p1 $0x1082;
	[sflag:s4] =	ssyncset.s32 $0xFFFFF086  }
0x25: {  	[simem:s6], [sflag:s4] =	dma.local [hbm:s3], $0xF7A  }
0x26: {  	[smem:$0x3F9A] =	sst s1;
	(tag) =	ssettag s2;
	_ =	strace s9  }
0x27: {  	s1 =	sld [smem:$0x3FAA]  }
0x28: {  	s2 =	sld [smem:$0x3FAB]  }
0x29: {  	s4 =	sld [smem:$0x3FAD]  }
0x2a: {  	p0 =	seq.s32 s5, $0x0;
	s5 =	sld [smem:$0x3FAE]  }
0x2b: {  	s6 =	sld [smem:$0x3FAF]  }
0x2c: {  	s7 =	sld [smem:$0x3FB0]  }
0x2d: {  	s3 =	simm.s32 $0x108;
	s8 =	sld [smem:$0x3FB1]  }
0x2e: {  	s3 =	simm.s32 @!p0 $0x1082;
	s9 =	sld [smem:$0x3FB2]  }
0x2f: {  	lr =	sadd.s32 s0, s3;
	s0 =	sld [smem:$0x3FA9]  }
0x30: {  	s3 =	sld [smem:$0x3FAC]  }
0x31: {  	[smem:$0x3FB5] =	sst s10  }
0x32: {  	s10 =	sld [smem:$0x3FB3];
	_ =	sdelay $0x3  }
0x33: {  	p0 =	seq.s32 s10, $0x1;
	s10 =	sld [smem:$0x3FB5];
	_ =	sdelay $0x3  }
0x34: {  	[smem:$0x3FB5] =	sst s10  }
0x35: {  	s10 =	sld [smem:$0x3FB4];
	_ =	sdelay $0x3  }
0x36: {  	p1 =	seq.s32 s10, $0x1;
	s10 =	sld [smem:$0x3FB5];
	_ =	sdelay $0x3  }
0x37: {  	[smem:$0x3FB5] =	sst s10  }
0x38: {  	s10 =	sld [smem:$0x3FB6]  }
0x39: {  	_ = 	snop;
	(pc) =	sbr.ind lr, $3  }
0x3a: {  	_ = 	snop  }
0x3b: {  	_ = 	snop  }
0x3c: {  	p2 =	seq.s32 s10, $0x1;
	s10 =	sld [smem:$0x3FB5]  }
0x3d: {  	_ =	shalt  }
0x3e: {  	_ =	shalt  }
0x3f: {  	_ =	shalt  }
0x40: {  	_ =	shalt  }
0x41: {  	_ =	shalt  }
0x42: {  	_ =	shalt  }
0x43: {  	_ =	shalt  }
0x44: {  	_ =	shalt  }
0x45: {  	_ =	shalt  }
0x46: {  	_ =	shalt  }
0x47: {  	_ =	shalt  }
0x48: {  	_ =	shalt  }
0x49: {  	_ =	shalt  }
0x4a: {  	_ =	shalt  }
0x4b: {  	_ =	shalt  }
0x4c: {  	_ =	shalt  }
0x4d: {  	_ =	shalt  }
0x4e: {  	_ =	shalt  }
0x4f: {  	_ =	shalt  }
0x50: {  	_ =	shalt  }
0x51: {  	_ =	shalt  }
0x52: {  	_ =	shalt  }
0x53: {  	_ =	shalt  }
0x54: {  	_ =	shalt  }
0x55: {  	_ =	shalt  }
0x56: {  	_ =	shalt  }
0x57: {  	_ =	shalt  }
0x58: {  	_ =	shalt  }
0x59: {  	_ =	shalt  }
0x5a: {  	_ =	shalt  }
0x5b: {  	_ =	shalt  }
0x5c: {  	_ =	shalt  }
0x5d: {  	_ =	shalt  }
0x5e: {  	_ =	shalt  }
0x5f: {  	_ =	shalt  }
0x60: {  	_ =	shalt  }
0x61: {  	_ =	shalt  }
0x62: {  	_ =	shalt  }
0x63: {  	_ =	shalt  }
0x64: {  	_ =	shalt  }
0x65: {  	_ =	shalt  }
0x66: {  	_ =	shalt  }
0x67: {  	_ =	shalt  }
0x68: {  	_ =	shalt  }
0x69: {  	_ =	shalt  }
0x6a: {  	_ =	shalt  }
0x6b: {  	_ =	shalt  }
0x6c: {  	_ =	shalt  }
0x6d: {  	_ =	shalt  }
0x6e: {  	_ =	shalt  }
0x6f: {  	_ =	shalt  }
0x70: {  	_ =	shalt  }
0x71: {  	_ =	shalt  }
0x72: {  	_ =	shalt  }
0x73: {  	_ =	shalt  }
0x74: {  	_ =	shalt  }
0x75: {  	_ =	shalt  }
0x76: {  	_ =	shalt  }
0x77: {  	_ =	shalt  }
0x78: {  	_ =	shalt  }
0x79: {  	_ =	shalt  }
0x7a: {  	_ =	shalt  }
0x7b: {  	_ =	shalt  }
0x7c: {  	_ =	shalt  }
0x7d: {  	_ =	shalt  }
0x7e: {  	_ =	shalt  }
0x7f: {  	_ =	shalt  }
0x80: {  	_ =	shalt  }
0x81: {  	_ =	shalt  }
0x82: {  	_ =	shalt  }
0x83: {  	_ =	shalt  }
0x84: {  	_ =	shalt  }
0x85: {  	_ =	shalt  }
0x86: {  	_ =	shalt  }
0x87: {  	_ =	shalt  }
.Lfunc_end0:
.L_simem_size_0:
called_computation.1_lowered:
.L_overlay_start_0:
0x88: {  	s2 =	sld [smem:$0x3FD9]  }
0x89: {  	s3 =	sld [smem:$0x3FFE];
	_ =	sdelay $0x1  }
0x8a: {  	s1 =	srdreg.scid  }
0x8b: {  	s0 =	sand.u32 $0x1, s1  }
0x8c: {  	s14 =	sshll.u32 s0, $0xA;
	s2 =	sadd.s32 s3, s2  }
0x8d: {  	s2 =	sadd.s32 s2, s14  }
0x8e: {  	[smem:$0x3FC1] =	sst s2  }
0x8f: {  	_ = 	snop  }
0x90: {  	s2 =	sld [smem:$0x3FD0];
	_ =	sdelay $0x2  }
0x91: {  	s15 =	simm.s32 $0xA;
	s4 =	simm.s32 $0x10  }
0x92: {  	[smem:s4], [sflag:s15] =	dma.local [hbm:s2], $0x1  }
0x93: {  	_ =	swait.eq [sflag:s15], $0x1  }
0x94: {  	[sflag:s15] =	ssyncset.done $0x0  }
0x95: {  	[sflag:s15] =	ssyncadd.s32 $0xFFFFFFFF  }
0x96: {  	s16 =	sld [smem:$0x10];
	(tm) =	ssettm $0x1  }
0x97: {  	s17 =	sld [smem:$0x3FFB];
	_ =	sdelay $0x3  }
0x98: {  	_ =	strace s17  }
0x99: {  	s3 =	sld [smem:$0x3FFC];
	_ =	sdelay $0x3  }
0x9a: {  	_ =	strace s3  }
0x9b: {  	s3 =	sld [smem:$0x3FFD];
	_ =	sdelay $0x3  }
0x9c: {  	_ =	strace s3  }
0x9d: {  	_ =	strace $0x8FFFFFFF  }
0x9e: {  	s18 =	sld [smem:$0x3FDB];
	_ =	sdelay $0x1  }
0x9f: {  	s19 =	simm.s32 $_scs_section_size  }
0xa0: {  	s5 =	simm.s32 $_size__tile_overlayer_lowered;
	s6 =	simm.s32 $_tile_overlayer_lowered  }
0xa1: {  	s22 =	simm.s32 $0x1BFF;
	s21 =	sshll.u32 s6, $0x1;
	s3 =	sadd.s32 s19, s18  }
0xa2: {  	s7 =	simm.s32 $0x0;
	s20 =	sshll.u32 s5, $0x1;
	s5 =	sadd.s32 s21, s3  }
0xa3: {  	[timem:s7], [sflag:s22] =	dma.local [hbm:s5], s20  }
0xa4: {  	_ =	swait.ge [sflag:s22], s20  }
0xa5: {  	s4 =	ssub.s32 $0x0, s20;
	[sflag:s22] =	ssyncset.done $0x0  }
0xa6: {  	[sflag:s22] =	ssyncadd.s32 s4;
	_ =	sdelay $0x1  }
0xa7: {  	s23 =	simm.s32 $0x1B8B  }
0xa8: {  	_ =	swait.ge [sflag:s23], $0x1  }
0xa9: {  	[sflag:s23] =	ssyncset.done $0x0  }
0xaa: {  	s25 =	simm.s32 $0x1B8E;
	s24 =	sld [smem:$0x3FFE];
	[sflag:s23] =	ssyncadd.s32 $0xFFFFFFFF  }
0xab: {  	s26 =	simm.s32 $execute0_lowered;
	[smem:$0x3FD2] =	sst s25  }
0xac: {  	s5 =	sshll.u32 s26, $0x1;
	_ =	strace $0x80000049;
	[dreg:$0x1] =	wrdreg $0xFFFFFFFF  }
0xad: {  	s28 =	simm.s32 $_size_execute0_lowered;
	s3 =	sadd.s32 s3, s5;
	[dreg:$0x0] =	wrdreg $0x0  }
0xae: {  	s5 =	sshll.u32 s28, $0x1;
	[dreg:$0x2] =	wrdreg s3  }
0xaf: {  	[dreg:$0x3] =	wrdreg s5  }
0xb0: {  	[dreg:$0x4] =	wrdreg $0xC0  }
0xb1: {  	_ =	task [dreg:s7], $0x5FFFF  }
0xb2: {  	[dreg:$0x1] =	wrdreg $0xFFFFFFFF  }
0xb3: {  	[dreg:$0x0] =	wrdreg $0x60  }
0xb4: {  	[dreg:$0x2] =	wrdreg s24  }
0xb5: {  	[dreg:$0x3] =	wrdreg s16  }
0xb6: {  	[dreg:$0x4] =	wrdreg $0x9  }
0xb7: {  	_ =	task.clear_ibuf [dreg:s7], $0x5FFFF;
	_ =	strace $0x90000049  }
0xb8: {  	s29 =	simm.s32 $0x9;
	_ =	strace $0x8000004B  }
0xb9: {  	_ =	swait.ge [sflag:s29], $0x1  }
0xba: {  	[sflag:s29] =	ssyncadd.s32 $0xFFFFFFFF  }
0xbb: {  	_ =	strace $0x9000004B  }
0xbc: {  	_ =	sfence  }
0xbd: {  	s30 =	sld [smem:$0x0];
	_ =	sdelay $0x2  }
0xbe: {  	s31 =	sshll.u32 s1, $0xD;
	s1 =	sshrl.u32 s1, $0x2  }
0xbf: {  	s3 =	sand.u32 $0x4000, s31;
	s1 =	sadd.s32 s1, s30  }
0xc0: {  	s0 =	sor.u32 s3, s0;
	s1 =	sshll.u32 s1, $0x11  }
0xc1: {  	s0 =	sor.u32 s1, s0  }
0xc2: {  	s0 =	sadd.s32 $0x8F2B, s0  }
0xc3: {  	[sflag:s0] =	ssyncadd.remote.s32 $0x1  }
0xc4: {  	_ =	sfence.sel $0xFFFF  }
0xc5: {  	[dreg:$0x0] =	wrdreg $0xFFFFFFFF;
	(pc) =	sbr.abs _section_cstart, $3  }
0xc6: {  	[dreg:$0x1] =	wrdreg $0xFFFFFFFF  }
0xc7: {  	_ =	task.clear_ibuf [dreg:s7], $0x2FFFF;
	_ =	strace $0x9FFFFFFF  }
0xc8: {  	(tm) =	ssettm $0x7FFFFFFF  }
0xc9: {  	_ =	shalt  }
tec
execute0_lowered:
.L_overlay_start_1:
0x0: {  	(tag) =	ssettag $0x1  }
0x1: {  	s1 =	srdreg.scid  }
0x2: {  	s0 =	stileid.u32;
	s7 =	sand.u32 $0x1, s1  }
0x3: {  	s6 =	rddreg [dreg:$0x0];
	s3 =	sshll.u32 s0, $0x7;
	s4 =	sshll.u32 s7, $0x6  }
0x4: {  	s9 =	rddreg [dreg:$0x1];
	s2 =	simm.s32 $0x0;
	s10 =	sor.u32 s4, s3  }
0x5: {  	s5 =	simm.s32 $0xC000;
	[smem:$0x7FF] =	sst s2;
	s3 =	sshrl.u32 s10, $0x3  }
0x6: {  	s1 =	rddreg [dreg:$0x2];
	_ =	strace $0x8000004A;
	s3 =	sadd.s32 s3, s6  }
0x7: {  	s11 =	ssub.s32 $0x2, s7;
	s4 =	simm.s32 $0x2;
	s3 =	sadd.s32 $0x8000, s3  }
0x8: {  	[tilespmem:s5], [sflag:$0x2] =	stream.linear.gather [hbm4b:s3+s2], $0x40, $0x38;
	[tilespmem:$0xC080] =	vst v63  }
0x9: {  	s8 =	simm.s32 $0x1;
	s12 =	sshrl.u32 s11, $0x1;
	_ =	swait.ge [sflag:s4], $0x40  }
0xa: {  	s7 =	simm.s32 $0x40;
	s11 =	ssub.s32 s11, s12;
	[sflag:s4] =	ssyncset.done $0x0  }
0xb: {  	s6 =	sadd.s32 $0x8200, s6;
	s31 =	smax.u32 s11, $0x1;
	[sflag:s4] =	ssyncadd.s32 $0xFFFFFFC0  }
0xc: {  	[tilespmem:s2], [sflag:$0x1] =	stream.indirect.gather [hbm4b:s6+s7], $0x300, s5, s7, $0xb8;
	[tilespmem:$0xC080] =	vst v63  }
0xd: {  	s10 =	smul.u32 $0x60, s10;
	p0 =	sne.s32 s31, $0x1;
	_ =	swait.ge [sflag:s8], $0xC000  }
.Ltmp0:
0xe: {  	[sflag:s8] =	ssyncset.done $0x0;
	(pc) =	sbr.rel @!p0 .LBB2_2-.Ltmp0, $4  }
0xf: {  	s9 =	sadd.s32 s9, s10;
	[sflag:s8] =	ssyncadd.s32 $0xFFFF4000  }
0x10: {  	[hbm4b:s9+s2] =	stream.linear.scatter [tilespmem:s2], [sflag:$0x2], $0xC000, $0x38;
	[tilespmem:$0xC080] =	vst v63  }
0x11: {  	_ =	swait.ge [sflag:s4], $0xC000  }
0x12: {  	s10 =	sadd.s32 $0xFFFFFFFF, s31;
	[sflag:s4] =	ssyncset.done $0x0  }
.LBB2_1:
0x13: {  	p0 =	sne.s32 s10, $0x1;
	s10 =	sadd.s32 $0xFFFFFFFF, s10;
	[sflag:s4] =	ssyncadd.s32 $0xFFFF4000  }
0x14: {  	[tilespmem:s5], [sflag:$0x2] =	stream.linear.gather [hbm4b:s3+s2], $0x40, $0x38;
	[tilespmem:$0xC080] =	vst v63  }
0x15: {  	_ =	swait.ge [sflag:s4], $0x40  }
0x16: {  	[sflag:s4] =	ssyncset.done $0x0  }
0x17: {  	[sflag:s4] =	ssyncadd.s32 $0xFFFFFFC0  }
0x18: {  	[tilespmem:s2], [sflag:$0x1] =	stream.indirect.gather [hbm4b:s6+s7], $0x300, s5, s7, $0xb8;
	[tilespmem:$0xC080] =	vst v63  }
0x19: {  	_ =	swait.ge [sflag:s8], $0xC000  }
.Ltmp1:
0x1a: {  	[sflag:s8] =	ssyncset.done $0x0;
	(pc) =	sbr.rel @p0 .LBB2_1-.Ltmp1, $4  }
0x1b: {  	[sflag:s8] =	ssyncadd.s32 $0xFFFF4000  }
0x1c: {  	[hbm4b:s9+s2] =	stream.linear.scatter [tilespmem:s2], [sflag:$0x2], $0xC000, $0x38;
	[tilespmem:$0xC080] =	vst v63  }
0x1d: {  	_ =	swait.ge [sflag:s4], $0xC000  }
0x1e: {  	[sflag:s4] =	ssyncset.done $0x0  }
.LBB2_2:
0x1f: {  	[sflag:s4] =	ssyncadd.s32 $0xFFFF4000  }
0x20: {  	_ =	sfence.sel $0x180000  }
0x21: {  	[bflag:$0x0] =	sbarrier.arrive $0xFFFF  }
0x22: {  	p0 =	sne.s32 s0, $0x0;
	_ =	strace $0x9000004A  }
0x23: {  	s0 =	sadd.s32 @!p0 $0x100000, s1;
	[bflag:$0x2] =	sbarrier.arrive $0xFFFF  }
0x24: {  	[sflag:s0] =	ssyncadd.tile.s32 @!p0 $0x1;
	_ =	shalt  }
.Lfunc_end2:
_tile_overlayer_lowered:
.L_overlay_start_2:
0x25: {  	(tag) =	ssettag $0x2  }
0x26: {  	s0 =	rddreg [dreg:$0x0];
	s2 =	stileid.u32  }
0x27: {  	s1 =	rddreg [dreg:$0x1];
	p0 =	sne.s32 s2, $0x0  }
0x28: {  	s3 =	rddreg [dreg:$0x2];
	[bflag:$0x3] =	sbarrier.arrive $0xFFFF;
	s2 =	simm.s32 @!p0 $0x1C02  }
0x29: {  	[timem:s3], [sflag:s2] =	dma.local @!p0 [hbm:s0], s1  }
0x2a: {  	s0 =	simm.s32 @!p0 $0x2  }
0x2b: {  	_ =	swait.ge @!p0 [sflag:s0], s1  }
0x2c: {  	s1 =	ssub.s32 @!p0 $0x0, s1;
	[sflag:s0] =	ssyncset.done @!p0 $0x0  }
0x2d: {  	[sflag:s0] =	ssyncadd.s32 @!p0 s1  }
0x2e: {  	[bflag:$0x3] =	sbarrier.arrive $0xFFFF  }
0x2f: {  	_ =	shalt  }

</sc_bundles>
